<compile_context>
chip_gen: v7x
topology: tpu7x:2x2x1
jax: 0.10.2.dev20260603
libtpu: 0.0.44.dev20260713+nightly
codegen_flags: <defaults>
</compile_context>

<pallas_src>
import functools

import jax
import jax.numpy as jnp
from jax import lax
from jax.experimental import pallas as pl
from jax.experimental.pallas import tpu as pltpu
from jax.experimental.pallas import tpu_sc as plsc

B = 16384
N_DENSE = 13
N_SPARSE = 26
VOCAB = 100000
EMB = 32
X_DIM = N_DENSE + N_SPARSE * EMB
S_DIM = N_SPARSE * EMB

NSUB = 28
R2 = B * NSUB
NW = 32
RPW = R2 // NW
G = 128
NG = RPW // G
NBUF = 4
OROW = R2 // 4

BT = 512
NT = 7


def _sc_gather(table, idx2d):
    mesh = plsc.VectorSubcoreMesh(core_axis_name="c", subcore_axis_name="s")

    @functools.partial(
        pl.kernel,
        mesh=mesh,
        out_type=jax.ShapeDtypeStruct((R2, EMB), jnp.float32),
        scratch_types=[pltpu.VMEM((NG, G), jnp.int32),
                       pltpu.VMEM((NBUF, G, EMB), jnp.float32)]
                      + [pltpu.SemaphoreType.DMA] * NBUF,
        compiler_params=pltpu.CompilerParams(use_tc_tiling_on_sc=False),
    )
    def k(table_hbm, idx_hbm, out_hbm, idx_v, rows_v, *sems):
        wid = lax.axis_index("s") * 2 + lax.axis_index("c")
        cbase = wid * NG
        pltpu.sync_copy(idx_hbm.at[pl.ds(cbase, NG)], idx_v)
        for b in range(NBUF):
            pltpu.async_copy(table_hbm.at[idx_v.at[b]], rows_v.at[b], sems[b])

        def body(g, carry):
            for b in range(NBUF):
                j = g * NBUF + b
                pltpu.make_async_copy(out_hbm.at[pl.ds(0, G)], rows_v.at[b],
                                      sems[b]).wait()
                pltpu.sync_copy(rows_v.at[b],
                                out_hbm.at[pl.ds((cbase + j) * G, G)])
                nxt = j + NBUF

                @pl.when(nxt < NG)
                def _():
                    pltpu.async_copy(table_hbm.at[idx_v.at[nxt]],
                                     rows_v.at[b], sems[b])
            return carry

        lax.fori_loop(0, NG // NBUF, body, 0)

    return k(table, idx2d)


def _tc_body(dense_ref, sp_ref, w1_ref, wc_ref, w2_ref, w3_ref, wo_ref,
             b1_ref, b2_ref, b3_ref, cb_ref, bo_ref, out_ref):
    f32 = jnp.float32
    bf16 = jnp.bfloat16

    def bdot(a, b):
        return lax.dot_general(a.astype(bf16), b.astype(bf16),
                               (((1,), (0,)), ((), ())),
                               preferred_element_type=f32)

    v = sp_ref[...]
    pieces = [dense_ref[...]]
    for t in range(NT):
        pieces.append(v[:, t].reshape(BT, 128))
    x = jnp.concatenate(pieces, axis=1)[:, :X_DIM]

    cb = cb_ref[...]
    wc = wc_ref[...]

    xl = x
    for k in range(3):
        sk = bdot(xl, wc[:, k:k + 1])
        xl = x * sk + cb[:, k:k + 1] + xl

    h = jnp.maximum(bdot(x, w1_ref[...]) + b1_ref[...], 0.0)
    h = jnp.maximum(bdot(h, w2_ref[...]) + b2_ref[...], 0.0)
    h = jnp.maximum(bdot(h, w3_ref[...]) + b3_ref[...], 0.0)
    cat = jnp.concatenate([xl, h], axis=1)
    logit = bdot(cat, wo_ref[...]) + bo_ref[...]
    out_ref[...] = jax.nn.sigmoid(logit)


def kernel(inputs, embed_tables, cross_w, cross_b, W1, b1, W2, b2, W3, b3, Wo, bo):
    dense = inputs[:, :N_DENSE]
    idx = inputs[:, N_DENSE:].astype(jnp.int32)
    offs = (jnp.arange(N_SPARSE, dtype=jnp.int32) * VOCAB)[None, :]
    idxp = jnp.concatenate(
        [idx + offs, idx[:, :NSUB - N_SPARSE] + offs[:, :NSUB - N_SPARSE]],
        axis=1)
    idx2d = (idxp.reshape(B // 8, 8, NT, 4)
             .transpose(0, 2, 1, 3).reshape(R2 // G, G))
    table = embed_tables.reshape(N_SPARSE * VOCAB, EMB)

    rows = _sc_gather(table, idx2d)
    sp4 = rows.reshape(B // 8, NT, 8, 128)

    wc = jnp.concatenate([cross_w[0], cross_w[1], cross_w[2]], axis=1)
    b1r, b2r, b3r = b1[None, :], b2[None, :], b3[None, :]
    cbr = cross_b.reshape(1, 3)
    bor = bo.reshape(1, 1)

    rep = lambda shape: pl.BlockSpec(shape, lambda i: (0,) * len(shape))
    out = pl.pallas_call(
        _tc_body,
        grid=(B // BT,),
        in_specs=[
            pl.BlockSpec((BT, N_DENSE), lambda i: (i, 0)),
            pl.BlockSpec((BT // 8, NT, 8, 128), lambda i: (i, 0, 0, 0)),
            rep((X_DIM, 256)), rep((X_DIM, 3)),
            rep((256, 128)), rep((128, 64)), rep((X_DIM + 64, 1)),
            rep((1, 256)), rep((1, 128)), rep((1, 64)),
            rep((1, 3)), rep((1, 1)),
        ],
        out_specs=pl.BlockSpec((BT, 1), lambda i: (i, 0)),
        out_shape=jax.ShapeDtypeStruct((B, 1), jnp.float32),
    )(dense, sp4, W1, wc, W2, W3, Wo, b1r, b2r, b3r, cbr, bor)
    return out

# --- scband reference (transcript-rebuilt; emitter-appended) ---
"""Pipeline reference for scband-dcn-17858474017264 (READ-ONLY COPY).

The authoritative reference and input builder live on the scoring server;
editing this copy changes nothing except your own understanding.
"""

import jax, jax.numpy as jnp
import numpy as np

B = 16384
N_DENSE = 13
N_SPARSE = 26
VOCAB = 100000
EMB = 32
N_CROSS = 3
OUT_DIM = 64
X_DIM = N_DENSE + N_SPARSE * EMB  # 845


def setup_inputs(seed: int = 0) -> dict:
    key = jax.random.key(seed)
    ks = jax.random.split(key, 12)
    inputs = jax.random.randint(ks[0], (B, N_DENSE + N_SPARSE), 0, VOCAB).astype(jnp.float32)
    embed_tables = jax.random.normal(ks[1], (N_SPARSE, VOCAB, EMB), dtype=jnp.float32) * 0.01
    cross_w = jax.random.normal(ks[2], (N_CROSS, X_DIM, 1), dtype=jnp.float32) * 0.01
    cross_b = jnp.zeros((N_CROSS, 1), dtype=jnp.float32)
    W1 = jax.random.normal(ks[3], (X_DIM, 256), dtype=jnp.float32) * 0.02
    b1 = jnp.zeros((256,), dtype=jnp.float32)
    W2 = jax.random.normal(ks[4], (256, 128), dtype=jnp.float32) * 0.02
    b2 = jnp.zeros((128,), dtype=jnp.float32)
    W3 = jax.random.normal(ks[5], (128, OUT_DIM), dtype=jnp.float32) * 0.02
    b3 = jnp.zeros((OUT_DIM,), dtype=jnp.float32)
    Wo = jax.random.normal(ks[6], (X_DIM + OUT_DIM, 1), dtype=jnp.float32) * 0.02
    bo = jnp.zeros((1,), dtype=jnp.float32)
    return {"inputs": inputs, "embed_tables": embed_tables, "cross_w": cross_w,
            "cross_b": cross_b, "W1": W1, "b1": b1, "W2": W2, "b2": b2,
            "W3": W3, "b3": b3, "Wo": Wo, "bo": bo}


def reference(inputs, embed_tables, cross_w, cross_b, W1, b1, W2, b2, W3, b3, Wo, bo):
    dense_input = inputs[:, :N_DENSE]
    idx = jax.lax.stop_gradient(inputs[:, N_DENSE:]).astype(jnp.int32)
    sparse_embed = [jnp.take(embed_tables[i], idx[:, i], axis=0) for i in range(N_SPARSE)]
    x = jnp.concatenate([dense_input] + sparse_embed, axis=1)  # [B, X_DIM]
    # Cross part
    x0 = x[:, :, None]  # [B, X_DIM, 1]
    xl = x0
    for i in range(N_CROSS):
        xl_w = jnp.matmul(jnp.transpose(xl, (0, 2, 1)), cross_w[i])  # [B, 1, 1]
        xl = jnp.matmul(x0, xl_w) + cross_b[i] + xl
    cross_output = jnp.squeeze(xl, axis=2)  # [B, X_DIM]
    # Deep part (hidden_units=[256,128], final Dense(OUT_DIM, relu))
    h = jax.nn.relu(x @ W1 + b1)
    h = jax.nn.relu(h @ W2 + b2)
    dnn_output = jax.nn.relu(h @ W3 + b3)  # [B, OUT_DIM]
    out = jnp.concatenate([cross_output, dnn_output], axis=1)  # [B, X_DIM+OUT_DIM]
    return jax.nn.sigmoid(out @ Wo + bo)  # [B, 1]

if __name__ == "__main__":
    import jax
    _d = setup_inputs()
    print(jax.jit(kernel)(*tuple(_d.values())))

</pallas_src>

<mosaic_0001>
#map = affine_map<(d0, d1) -> (0, 0)>
module attributes {stable_mosaic.version = 14 : i64} {
  func.func @k(%arg0: i32, %arg1: i32, %arg2: memref<2600000x32xf32, #tpu.memory_space<hbm>>, %arg3: memref<3584x128xi32, #tpu.memory_space<hbm>>, %arg4: memref<458752x32xf32, #tpu.memory_space<hbm>>, %arg5: memref<112x128xi32, #tpu.memory_space<vmem>>, %arg6: memref<4x128x32xf32, #tpu.memory_space<vmem>>, %arg7: memref<!tpu.dma_semaphore, #tpu.memory_space<semaphore_mem>>, %arg8: memref<!tpu.dma_semaphore, #tpu.memory_space<semaphore_mem>>, %arg9: memref<!tpu.dma_semaphore, #tpu.memory_space<semaphore_mem>>, %arg10: memref<!tpu.dma_semaphore, #tpu.memory_space<semaphore_mem>>) attributes {dimension_semantics = [#tpu.dimension_semantics<core_parallel>, #tpu.dimension_semantics<subcore_parallel>], iteration_bounds = array<i64: 2, 16>, scalar_prefetch = 0 : i64, scratch_operands = 6 : i64, tpu.core_type = #tpu.core_type<sc_vector_subcore>, window_params = [{transform_indices = #map}, {transform_indices = #map}, {transform_indices = #map}]} {
    %mul3A = arith.constant 2 : i32
    %mul3A_0 = arith.muli %arg1, %mul3A : i32
    %add3A = arith.addi %mul3A_0, %arg0 : i32
    %mul3A_1 = arith.constant 112 : i32
    %mul3A_2 = arith.muli %add3A, %mul3A_1 : i32
    "tpu.region"() ({
      %run_scoped3A = tpu.sem_alloc : memref<!tpu.dma_semaphore, #tpu.memory_space<semaphore_mem>>
      %dma_start3A_55 = arith.constant 0 : i32
      %dma_start3A_56 = tpu.memref_slice %arg3[%mul3A_2, %dma_start3A_55] : memref<3584x128xi32, #tpu.memory_space<hbm>> -> memref<112x128xi32, #tpu.memory_space<hbm>>
      %dma_start3A_57 = arith.constant 0 : i32
      %dma_start3A_58 = tpu.memref_slice %arg3[%mul3A_2, %dma_start3A_57] : memref<3584x128xi32, #tpu.memory_space<hbm>> -> memref<112x128xi32, #tpu.memory_space<hbm>>
      tpu.enqueue_dma source(%dma_start3A_58 : memref<112x128xi32, #tpu.memory_space<hbm>>) target(%arg5 : memref<112x128xi32, #tpu.memory_space<vmem>>) target_semaphore(%run_scoped3A : memref<!tpu.dma_semaphore, #tpu.memory_space<semaphore_mem>>)
      %dma_wait3A = arith.constant 0 : i32
      %dma_wait3A_59 = tpu.memref_slice %arg3[%mul3A_2, %dma_wait3A] : memref<3584x128xi32, #tpu.memory_space<hbm>> -> memref<112x128xi32, #tpu.memory_space<hbm>>
      %dma_wait3A_60 = arith.constant 0 : i32
      %dma_wait3A_61 = tpu.memref_slice %arg3[%mul3A_2, %dma_wait3A_60] : memref<3584x128xi32, #tpu.memory_space<hbm>> -> memref<112x128xi32, #tpu.memory_space<hbm>>
      tpu.wait_dma2 semaphore(%run_scoped3A : memref<!tpu.dma_semaphore, #tpu.memory_space<semaphore_mem>>) src(%dma_wait3A_61 : memref<112x128xi32, #tpu.memory_space<hbm>>) dst(%arg5 : memref<112x128xi32, #tpu.memory_space<vmem>>)
      tpu.yield
    }) : () -> ()
    %dma_start3A = arith.constant 0 : i32
    %dma_start3A_3 = arith.constant 0 : i32
    %dma_start3A_4 = arith.constant 0 : i32
    %dma_start3A_5 = arith.constant 0 : i32
    %dma_start3A_6 = tpu.memref_slice %arg6[%dma_start3A_3, %dma_start3A_4, %dma_start3A_5] : memref<4x128x32xf32, #tpu.memory_space<vmem>> -> memref<1x128x32xf32, #tpu.memory_space<vmem>>
    %dma_start3A_7 = tpu.memref_squeeze %dma_start3A_6 : memref<1x128x32xf32, #tpu.memory_space<vmem>> -> memref<128x32xf32, #tpu.memory_space<vmem>>
    %dma_start3A_8 = arith.constant 0 : i32
    %dma_start3A_9 = tpu.memref_slice %arg5[%dma_start3A, %dma_start3A_8] : memref<112x128xi32, #tpu.memory_space<vmem>> -> memref<1x128xi32, #tpu.memory_space<vmem>>
    %dma_start3A_10 = tpu.memref_squeeze %dma_start3A_9 : memref<1x128xi32, #tpu.memory_space<vmem>> -> memref<128xi32, #tpu.memory_space<vmem>>
    %dma_start3A_11 = arith.constant 0 : i32
    %dma_start3A_12 = arith.constant 0 : i32
    %dma_start3A_13 = tpu.memref_slice %arg2[%dma_start3A_11, %dma_start3A_12] : memref<2600000x32xf32, #tpu.memory_space<hbm>> -> memref<2600000x32xf32, #tpu.memory_space<hbm>>
    tpu.enqueue_indirect_dma source(%dma_start3A_13 : memref<2600000x32xf32, #tpu.memory_space<hbm>>) target(%dma_start3A_7 : memref<128x32xf32, #tpu.memory_space<vmem>>) offsets(%dma_start3A_10 : memref<128xi32, #tpu.memory_space<vmem>>) semaphore(%arg7 : memref<!tpu.dma_semaphore, #tpu.memory_space<semaphore_mem>>)
    %dma_start3A_14 = arith.constant 1 : i32
    %dma_start3A_15 = arith.constant 1 : i32
    %dma_start3A_16 = arith.constant 0 : i32
    %dma_start3A_17 = arith.constant 0 : i32
    %dma_start3A_18 = tpu.memref_slice %arg6[%dma_start3A_15, %dma_start3A_16, %dma_start3A_17] : memref<4x128x32xf32, #tpu.memory_space<vmem>> -> memref<1x128x32xf32, #tpu.memory_space<vmem>>
    %dma_start3A_19 = tpu.memref_squeeze %dma_start3A_18 : memref<1x128x32xf32, #tpu.memory_space<vmem>> -> memref<128x32xf32, #tpu.memory_space<vmem>>
    %dma_start3A_20 = arith.constant 0 : i32
    %dma_start3A_21 = tpu.memref_slice %arg5[%dma_start3A_14, %dma_start3A_20] : memref<112x128xi32, #tpu.memory_space<vmem>> -> memref<1x128xi32, #tpu.memory_space<vmem>>
    %dma_start3A_22 = tpu.memref_squeeze %dma_start3A_21 : memref<1x128xi32, #tpu.memory_space<vmem>> -> memref<128xi32, #tpu.memory_space<vmem>>
    %dma_start3A_23 = arith.constant 0 : i32
    %dma_start3A_24 = arith.constant 0 : i32
    %dma_start3A_25 = tpu.memref_slice %arg2[%dma_start3A_23, %dma_start3A_24] : memref<2600000x32xf32, #tpu.memory_space<hbm>> -> memref<2600000x32xf32, #tpu.memory_space<hbm>>
    tpu.enqueue_indirect_dma source(%dma_start3A_25 : memref<2600000x32xf32, #tpu.memory_space<hbm>>) target(%dma_start3A_19 : memref<128x32xf32, #tpu.memory_space<vmem>>) offsets(%dma_start3A_22 : memref<128xi32, #tpu.memory_space<vmem>>) semaphore(%arg8 : memref<!tpu.dma_semaphore, #tpu.memory_space<semaphore_mem>>)
    %dma_start3A_26 = arith.constant 2 : i32
    %dma_start3A_27 = arith.constant 2 : i32
    %dma_start3A_28 = arith.constant 0 : i32
    %dma_start3A_29 = arith.constant 0 : i32
    %dma_start3A_30 = tpu.memref_slice %arg6[%dma_start3A_27, %dma_start3A_28, %dma_start3A_29] : memref<4x128x32xf32, #tpu.memory_space<vmem>> -> memref<1x128x32xf32, #tpu.memory_space<vmem>>
    %dma_start3A_31 = tpu.memref_squeeze %dma_start3A_30 : memref<1x128x32xf32, #tpu.memory_space<vmem>> -> memref<128x32xf32, #tpu.memory_space<vmem>>
    %dma_start3A_32 = arith.constant 0 : i32
    %dma_start3A_33 = tpu.memref_slice %arg5[%dma_start3A_26, %dma_start3A_32] : memref<112x128xi32, #tpu.memory_space<vmem>> -> memref<1x128xi32, #tpu.memory_space<vmem>>
    %dma_start3A_34 = tpu.memref_squeeze %dma_start3A_33 : memref<1x128xi32, #tpu.memory_space<vmem>> -> memref<128xi32, #tpu.memory_space<vmem>>
    %dma_start3A_35 = arith.constant 0 : i32
    %dma_start3A_36 = arith.constant 0 : i32
    %dma_start3A_37 = tpu.memref_slice %arg2[%dma_start3A_35, %dma_start3A_36] : memref<2600000x32xf32, #tpu.memory_space<hbm>> -> memref<2600000x32xf32, #tpu.memory_space<hbm>>
    tpu.enqueue_indirect_dma source(%dma_start3A_37 : memref<2600000x32xf32, #tpu.memory_space<hbm>>) target(%dma_start3A_31 : memref<128x32xf32, #tpu.memory_space<vmem>>) offsets(%dma_start3A_34 : memref<128xi32, #tpu.memory_space<vmem>>) semaphore(%arg9 : memref<!tpu.dma_semaphore, #tpu.memory_space<semaphore_mem>>)
    %dma_start3A_38 = arith.constant 3 : i32
    %dma_start3A_39 = arith.constant 3 : i32
    %dma_start3A_40 = arith.constant 0 : i32
    %dma_start3A_41 = arith.constant 0 : i32
    %dma_start3A_42 = tpu.memref_slice %arg6[%dma_start3A_39, %dma_start3A_40, %dma_start3A_41] : memref<4x128x32xf32, #tpu.memory_space<vmem>> -> memref<1x128x32xf32, #tpu.memory_space<vmem>>
    %dma_start3A_43 = tpu.memref_squeeze %dma_start3A_42 : memref<1x128x32xf32, #tpu.memory_space<vmem>> -> memref<128x32xf32, #tpu.memory_space<vmem>>
    %dma_start3A_44 = arith.constant 0 : i32
    %dma_start3A_45 = tpu.memref_slice %arg5[%dma_start3A_38, %dma_start3A_44] : memref<112x128xi32, #tpu.memory_space<vmem>> -> memref<1x128xi32, #tpu.memory_space<vmem>>
    %dma_start3A_46 = tpu.memref_squeeze %dma_start3A_45 : memref<1x128xi32, #tpu.memory_space<vmem>> -> memref<128xi32, #tpu.memory_space<vmem>>
    %dma_start3A_47 = arith.constant 0 : i32
    %dma_start3A_48 = arith.constant 0 : i32
    %dma_start3A_49 = tpu.memref_slice %arg2[%dma_start3A_47, %dma_start3A_48] : memref<2600000x32xf32, #tpu.memory_space<hbm>> -> memref<2600000x32xf32, #tpu.memory_space<hbm>>
    tpu.enqueue_indirect_dma source(%dma_start3A_49 : memref<2600000x32xf32, #tpu.memory_space<hbm>>) target(%dma_start3A_43 : memref<128x32xf32, #tpu.memory_space<vmem>>) offsets(%dma_start3A_46 : memref<128xi32, #tpu.memory_space<vmem>>) semaphore(%arg10 : memref<!tpu.dma_semaphore, #tpu.memory_space<semaphore_mem>>)
    %scan3A = arith.constant 0 : i32
    %scan3A_50 = arith.constant 0 : i32
    %scan3A_51 = arith.constant 28 : i32
    %scan3A_52 = arith.addi %scan3A_50, %scan3A_51 : i32
    %scan3A_53 = arith.constant 1 : i32
    scf.for %scan3A_55 = %scan3A_50 to %scan3A_52 step %scan3A_53  : i32 {
      %mul3A_56 = arith.constant 4 : i32
      %mul3A_57 = arith.muli %scan3A_55, %mul3A_56 : i32
      %add3A_58 = arith.constant 0 : i32
      %add3A_59 = arith.addi %mul3A_57, %add3A_58 : i32
      %dma_wait3A = arith.constant 0 : i32
      %dma_wait3A_60 = arith.constant 0 : i32
      %dma_wait3A_61 = arith.constant 0 : i32
      %dma_wait3A_62 = tpu.memref_slice %arg6[%dma_wait3A, %dma_wait3A_60, %dma_wait3A_61] : memref<4x128x32xf32, #tpu.memory_space<vmem>> -> memref<1x128x32xf32, #tpu.memory_space<vmem>>
      %dma_wait3A_63 = tpu.memref_squeeze %dma_wait3A_62 : memref<1x128x32xf32, #tpu.memory_space<vmem>> -> memref<128x32xf32, #tpu.memory_space<vmem>>
      %dma_wait3A_64 = arith.constant 0 : i32
      %dma_wait3A_65 = arith.constant 0 : i32
      %dma_wait3A_66 = tpu.memref_slice %arg4[%dma_wait3A_64, %dma_wait3A_65] : memref<458752x32xf32, #tpu.memory_space<hbm>> -> memref<128x32xf32, #tpu.memory_space<hbm>>
      %dma_wait3A_67 = arith.constant 0 : i32
      %dma_wait3A_68 = arith.constant 0 : i32
      %dma_wait3A_69 = tpu.memref_slice %arg6[%dma_wait3A, %dma_wait3A_67, %dma_wait3A_68] : memref<4x128x32xf32, #tpu.memory_space<vmem>> -> memref<1x128x32xf32, #tpu.memory_space<vmem>>
      %dma_wait3A_70 = tpu.memref_squeeze %dma_wait3A_69 : memref<1x128x32xf32, #tpu.memory_space<vmem>> -> memref<128x32xf32, #tpu.memory_space<vmem>>
      %dma_wait3A_71 = arith.constant 0 : i32
      %dma_wait3A_72 = arith.constant 0 : i32
      %dma_wait3A_73 = tpu.memref_slice %arg4[%dma_wait3A_71, %dma_wait3A_72] : memref<458752x32xf32, #tpu.memory_space<hbm>> -> memref<128x32xf32, #tpu.memory_space<hbm>>
      tpu.wait_dma2 semaphore(%arg7 : memref<!tpu.dma_semaphore, #tpu.memory_space<semaphore_mem>>) src(%dma_wait3A_73 : memref<128x32xf32, #tpu.memory_space<hbm>>) dst(%dma_wait3A_70 : memref<128x32xf32, #tpu.memory_space<vmem>>)
      %add3A_74 = arith.addi %mul3A_2, %add3A_59 : i32
      %mul3A_75 = arith.constant 128 : i32
      %mul3A_76 = arith.muli %add3A_74, %mul3A_75 : i32
      %run_scoped3A = arith.constant 0 : i32
      "tpu.region"() ({
        %run_scoped3A_171 = tpu.sem_alloc : memref<!tpu.dma_semaphore, #tpu.memory_space<semaphore_mem>>
        %dma_start3A_172 = arith.constant 0 : i32
        %dma_start3A_173 = arith.constant 0 : i32
        %dma_start3A_174 = tpu.memref_slice %arg6[%run_scoped3A, %dma_start3A_172, %dma_start3A_173] : memref<4x128x32xf32, #tpu.memory_space<vmem>> -> memref<1x128x32xf32, #tpu.memory_space<vmem>>
        %dma_start3A_175 = tpu.memref_squeeze %dma_start3A_174 : memref<1x128x32xf32, #tpu.memory_space<vmem>> -> memref<128x32xf32, #tpu.memory_space<vmem>>
        %dma_start3A_176 = arith.constant 0 : i32
        %dma_start3A_177 = tpu.memref_slice %arg4[%mul3A_76, %dma_start3A_176] : memref<458752x32xf32, #tpu.memory_space<hbm>> -> memref<128x32xf32, #tpu.memory_space<hbm>>
        %dma_start3A_178 = arith.constant 0 : i32
        %dma_start3A_179 = tpu.memref_slice %arg4[%mul3A_76, %dma_start3A_178] : memref<458752x32xf32, #tpu.memory_space<hbm>> -> memref<128x32xf32, #tpu.memory_space<hbm>>
        %dma_start3A_180 = arith.constant 0 : i32
        %dma_start3A_181 = arith.constant 0 : i32
        %dma_start3A_182 = tpu.memref_slice %arg6[%run_scoped3A, %dma_start3A_180, %dma_start3A_181] : memref<4x128x32xf32, #tpu.memory_space<vmem>> -> memref<1x128x32xf32, #tpu.memory_space<vmem>>
        %dma_start3A_183 = tpu.memref_squeeze %dma_start3A_182 : memref<1x128x32xf32, #tpu.memory_space<vmem>> -> memref<128x32xf32, #tpu.memory_space<vmem>>
        tpu.enqueue_dma source(%dma_start3A_183 : memref<128x32xf32, #tpu.memory_space<vmem>>) target(%dma_start3A_179 : memref<128x32xf32, #tpu.memory_space<hbm>>) target_semaphore(%run_scoped3A_171 : memref<!tpu.dma_semaphore, #tpu.memory_space<semaphore_mem>>)
        %dma_wait3A_184 = arith.constant 0 : i32
        %dma_wait3A_185 = arith.constant 0 : i32
        %dma_wait3A_186 = tpu.memref_slice %arg6[%run_scoped3A, %dma_wait3A_184, %dma_wait3A_185] : memref<4x128x32xf32, #tpu.memory_space<vmem>> -> memref<1x128x32xf32, #tpu.memory_space<vmem>>
        %dma_wait3A_187 = tpu.memref_squeeze %dma_wait3A_186 : memref<1x128x32xf32, #tpu.memory_space<vmem>> -> memref<128x32xf32, #tpu.memory_space<vmem>>
        %dma_wait3A_188 = arith.constant 0 : i32
        %dma_wait3A_189 = tpu.memref_slice %arg4[%mul3A_76, %dma_wait3A_188] : memref<458752x32xf32, #tpu.memory_space<hbm>> -> memref<128x32xf32, #tpu.memory_space<hbm>>
        %dma_wait3A_190 = arith.constant 0 : i32
        %dma_wait3A_191 = tpu.memref_slice %arg4[%mul3A_76, %dma_wait3A_190] : memref<458752x32xf32, #tpu.memory_space<hbm>> -> memref<128x32xf32, #tpu.memory_space<hbm>>
        %dma_wait3A_192 = arith.constant 0 : i32
        %dma_wait3A_193 = arith.constant 0 : i32
        %dma_wait3A_194 = tpu.memref_slice %arg6[%run_scoped3A, %dma_wait3A_192, %dma_wait3A_193] : memref<4x128x32xf32, #tpu.memory_space<vmem>> -> memref<1x128x32xf32, #tpu.memory_space<vmem>>
        %dma_wait3A_195 = tpu.memref_squeeze %dma_wait3A_194 : memref<1x128x32xf32, #tpu.memory_space<vmem>> -> memref<128x32xf32, #tpu.memory_space<vmem>>
        tpu.wait_dma2 semaphore(%run_scoped3A_171 : memref<!tpu.dma_semaphore, #tpu.memory_space<semaphore_mem>>) src(%dma_wait3A_195 : memref<128x32xf32, #tpu.memory_space<vmem>>) dst(%dma_wait3A_191 : memref<128x32xf32, #tpu.memory_space<hbm>>)
        tpu.yield
      }) : () -> ()
      %add3A_77 = arith.constant 4 : i32
      %add3A_78 = arith.addi %add3A_59, %add3A_77 : i32
      %lt3A = arith.constant 112 : i32
      %lt3A_79 = arith.cmpi slt, %add3A_78, %lt3A : i32
      %convert_element_type3A = arith.extui %lt3A_79 : i1 to i32
      %cond3A = arith.constant 0 : i32
      %cond3A_80 = arith.cmpi ne, %convert_element_type3A, %cond3A : i32
      scf.if %cond3A_80 {
        %dma_start3A_171 = arith.constant 0 : i32
        %dma_start3A_172 = arith.constant 0 : i32
        %dma_start3A_173 = arith.constant 0 : i32
        %dma_start3A_174 = tpu.memref_slice %arg6[%dma_start3A_171, %dma_start3A_172, %dma_start3A_173] : memref<4x128x32xf32, #tpu.memory_space<vmem>> -> memref<1x128x32xf32, #tpu.memory_space<vmem>>
        %dma_start3A_175 = tpu.memref_squeeze %dma_start3A_174 : memref<1x128x32xf32, #tpu.memory_space<vmem>> -> memref<128x32xf32, #tpu.memory_space<vmem>>
        %dma_start3A_176 = arith.constant 0 : i32
        %dma_start3A_177 = tpu.memref_slice %arg5[%add3A_78, %dma_start3A_176] : memref<112x128xi32, #tpu.memory_space<vmem>> -> memref<1x128xi32, #tpu.memory_space<vmem>>
        %dma_start3A_178 = tpu.memref_squeeze %dma_start3A_177 : memref<1x128xi32, #tpu.memory_space<vmem>> -> memref<128xi32, #tpu.memory_space<vmem>>
        %dma_start3A_179 = arith.constant 0 : i32
        %dma_start3A_180 = arith.constant 0 : i32
        %dma_start3A_181 = tpu.memref_slice %arg2[%dma_start3A_179, %dma_start3A_180] : memref<2600000x32xf32, #tpu.memory_space<hbm>> -> memref<2600000x32xf32, #tpu.memory_space<hbm>>
        tpu.enqueue_indirect_dma source(%dma_start3A_181 : memref<2600000x32xf32, #tpu.memory_space<hbm>>) target(%dma_start3A_175 : memref<128x32xf32, #tpu.memory_space<vmem>>) offsets(%dma_start3A_178 : memref<128xi32, #tpu.memory_space<vmem>>) semaphore(%arg7 : memref<!tpu.dma_semaphore, #tpu.memory_space<semaphore_mem>>)
      } else {
      }
      %mul3A_81 = arith.constant 4 : i32
      %mul3A_82 = arith.muli %scan3A_55, %mul3A_81 : i32
      %add3A_83 = arith.constant 1 : i32
      %add3A_84 = arith.addi %mul3A_82, %add3A_83 : i32
      %dma_wait3A_85 = arith.constant 1 : i32
      %dma_wait3A_86 = arith.constant 0 : i32
      %dma_wait3A_87 = arith.constant 0 : i32
      %dma_wait3A_88 = tpu.memref_slice %arg6[%dma_wait3A_85, %dma_wait3A_86, %dma_wait3A_87] : memref<4x128x32xf32, #tpu.memory_space<vmem>> -> memref<1x128x32xf32, #tpu.memory_space<vmem>>
      %dma_wait3A_89 = tpu.memref_squeeze %dma_wait3A_88 : memref<1x128x32xf32, #tpu.memory_space<vmem>> -> memref<128x32xf32, #tpu.memory_space<vmem>>
      %dma_wait3A_90 = arith.constant 0 : i32
      %dma_wait3A_91 = arith.constant 0 : i32
      %dma_wait3A_92 = tpu.memref_slice %arg4[%dma_wait3A_90, %dma_wait3A_91] : memref<458752x32xf32, #tpu.memory_space<hbm>> -> memref<128x32xf32, #tpu.memory_space<hbm>>
      %dma_wait3A_93 = arith.constant 0 : i32
      %dma_wait3A_94 = arith.constant 0 : i32
      %dma_wait3A_95 = tpu.memref_slice %arg6[%dma_wait3A_85, %dma_wait3A_93, %dma_wait3A_94] : memref<4x128x32xf32, #tpu.memory_space<vmem>> -> memref<1x128x32xf32, #tpu.memory_space<vmem>>
      %dma_wait3A_96 = tpu.memref_squeeze %dma_wait3A_95 : memref<1x128x32xf32, #tpu.memory_space<vmem>> -> memref<128x32xf32, #tpu.memory_space<vmem>>
      %dma_wait3A_97 = arith.constant 0 : i32
      %dma_wait3A_98 = arith.constant 0 : i32
      %dma_wait3A_99 = tpu.memref_slice %arg4[%dma_wait3A_97, %dma_wait3A_98] : memref<458752x32xf32, #tpu.memory_space<hbm>> -> memref<128x32xf32, #tpu.memory_space<hbm>>
      tpu.wait_dma2 semaphore(%arg8 : memref<!tpu.dma_semaphore, #tpu.memory_space<semaphore_mem>>) src(%dma_wait3A_99 : memref<128x32xf32, #tpu.memory_space<hbm>>) dst(%dma_wait3A_96 : memref<128x32xf32, #tpu.memory_space<vmem>>)
      %add3A_100 = arith.addi %mul3A_2, %add3A_84 : i32
      %mul3A_101 = arith.constant 128 : i32
      %mul3A_102 = arith.muli %add3A_100, %mul3A_101 : i32
      %run_scoped3A_103 = arith.constant 1 : i32
      "tpu.region"() ({
        %run_scoped3A_171 = tpu.sem_alloc : memref<!tpu.dma_semaphore, #tpu.memory_space<semaphore_mem>>
        %dma_start3A_172 = arith.constant 0 : i32
        %dma_start3A_173 = arith.constant 0 : i32
        %dma_start3A_174 = tpu.memref_slice %arg6[%run_scoped3A_103, %dma_start3A_172, %dma_start3A_173] : memref<4x128x32xf32, #tpu.memory_space<vmem>> -> memref<1x128x32xf32, #tpu.memory_space<vmem>>
        %dma_start3A_175 = tpu.memref_squeeze %dma_start3A_174 : memref<1x128x32xf32, #tpu.memory_space<vmem>> -> memref<128x32xf32, #tpu.memory_space<vmem>>
        %dma_start3A_176 = arith.constant 0 : i32
        %dma_start3A_177 = tpu.memref_slice %arg4[%mul3A_102, %dma_start3A_176] : memref<458752x32xf32, #tpu.memory_space<hbm>> -> memref<128x32xf32, #tpu.memory_space<hbm>>
        %dma_start3A_178 = arith.constant 0 : i32
        %dma_start3A_179 = tpu.memref_slice %arg4[%mul3A_102, %dma_start3A_178] : memref<458752x32xf32, #tpu.memory_space<hbm>> -> memref<128x32xf32, #tpu.memory_space<hbm>>
        %dma_start3A_180 = arith.constant 0 : i32
        %dma_start3A_181 = arith.constant 0 : i32
        %dma_start3A_182 = tpu.memref_slice %arg6[%run_scoped3A_103, %dma_start3A_180, %dma_start3A_181] : memref<4x128x32xf32, #tpu.memory_space<vmem>> -> memref<1x128x32xf32, #tpu.memory_space<vmem>>
        %dma_start3A_183 = tpu.memref_squeeze %dma_start3A_182 : memref<1x128x32xf32, #tpu.memory_space<vmem>> -> memref<128x32xf32, #tpu.memory_space<vmem>>
        tpu.enqueue_dma source(%dma_start3A_183 : memref<128x32xf32, #tpu.memory_space<vmem>>) target(%dma_start3A_179 : memref<128x32xf32, #tpu.memory_space<hbm>>) target_semaphore(%run_scoped3A_171 : memref<!tpu.dma_semaphore, #tpu.memory_space<semaphore_mem>>)
        %dma_wait3A_184 = arith.constant 0 : i32
        %dma_wait3A_185 = arith.constant 0 : i32
        %dma_wait3A_186 = tpu.memref_slice %arg6[%run_scoped3A_103, %dma_wait3A_184, %dma_wait3A_185] : memref<4x128x32xf32, #tpu.memory_space<vmem>> -> memref<1x128x32xf32, #tpu.memory_space<vmem>>
        %dma_wait3A_187 = tpu.memref_squeeze %dma_wait3A_186 : memref<1x128x32xf32, #tpu.memory_space<vmem>> -> memref<128x32xf32, #tpu.memory_space<vmem>>
        %dma_wait3A_188 = arith.constant 0 : i32
        %dma_wait3A_189 = tpu.memref_slice %arg4[%mul3A_102, %dma_wait3A_188] : memref<458752x32xf32, #tpu.memory_space<hbm>> -> memref<128x32xf32, #tpu.memory_space<hbm>>
        %dma_wait3A_190 = arith.constant 0 : i32
        %dma_wait3A_191 = tpu.memref_slice %arg4[%mul3A_102, %dma_wait3A_190] : memref<458752x32xf32, #tpu.memory_space<hbm>> -> memref<128x32xf32, #tpu.memory_space<hbm>>
        %dma_wait3A_192 = arith.constant 0 : i32
        %dma_wait3A_193 = arith.constant 0 : i32
        %dma_wait3A_194 = tpu.memref_slice %arg6[%run_scoped3A_103, %dma_wait3A_192, %dma_wait3A_193] : memref<4x128x32xf32, #tpu.memory_space<vmem>> -> memref<1x128x32xf32, #tpu.memory_space<vmem>>
        %dma_wait3A_195 = tpu.memref_squeeze %dma_wait3A_194 : memref<1x128x32xf32, #tpu.memory_space<vmem>> -> memref<128x32xf32, #tpu.memory_space<vmem>>
        tpu.wait_dma2 semaphore(%run_scoped3A_171 : memref<!tpu.dma_semaphore, #tpu.memory_space<semaphore_mem>>) src(%dma_wait3A_195 : memref<128x32xf32, #tpu.memory_space<vmem>>) dst(%dma_wait3A_191 : memref<128x32xf32, #tpu.memory_space<hbm>>)
        tpu.yield
      }) : () -> ()
      %add3A_104 = arith.constant 4 : i32
      %add3A_105 = arith.addi %add3A_84, %add3A_104 : i32
      %lt3A_106 = arith.constant 112 : i32
      %lt3A_107 = arith.cmpi slt, %add3A_105, %lt3A_106 : i32
      %convert_element_type3A_108 = arith.extui %lt3A_107 : i1 to i32
      %cond3A_109 = arith.constant 0 : i32
      %cond3A_110 = arith.cmpi ne, %convert_element_type3A_108, %cond3A_109 : i32
      scf.if %cond3A_110 {
        %dma_start3A_171 = arith.constant 1 : i32
        %dma_start3A_172 = arith.constant 0 : i32
        %dma_start3A_173 = arith.constant 0 : i32
        %dma_start3A_174 = tpu.memref_slice %arg6[%dma_start3A_171, %dma_start3A_172, %dma_start3A_173] : memref<4x128x32xf32, #tpu.memory_space<vmem>> -> memref<1x128x32xf32, #tpu.memory_space<vmem>>
        %dma_start3A_175 = tpu.memref_squeeze %dma_start3A_174 : memref<1x128x32xf32, #tpu.memory_space<vmem>> -> memref<128x32xf32, #tpu.memory_space<vmem>>
        %dma_start3A_176 = arith.constant 0 : i32
        %dma_start3A_177 = tpu.memref_slice %arg5[%add3A_105, %dma_start3A_176] : memref<112x128xi32, #tpu.memory_space<vmem>> -> memref<1x128xi32, #tpu.memory_space<vmem>>
        %dma_start3A_178 = tpu.memref_squeeze %dma_start3A_177 : memref<1x128xi32, #tpu.memory_space<vmem>> -> memref<128xi32, #tpu.memory_space<vmem>>
        %dma_start3A_179 = arith.constant 0 : i32
        %dma_start3A_180 = arith.constant 0 : i32
        %dma_start3A_181 = tpu.memref_slice %arg2[%dma_start3A_179, %dma_start3A_180] : memref<2600000x32xf32, #tpu.memory_space<hbm>> -> memref<2600000x32xf32, #tpu.memory_space<hbm>>
        tpu.enqueue_indirect_dma source(%dma_start3A_181 : memref<2600000x32xf32, #tpu.memory_space<hbm>>) target(%dma_start3A_175 : memref<128x32xf32, #tpu.memory_space<vmem>>) offsets(%dma_start3A_178 : memref<128xi32, #tpu.memory_space<vmem>>) semaphore(%arg8 : memref<!tpu.dma_semaphore, #tpu.memory_space<semaphore_mem>>)
      } else {
      }
      %mul3A_111 = arith.constant 4 : i32
      %mul3A_112 = arith.muli %scan3A_55, %mul3A_111 : i32
      %add3A_113 = arith.constant 2 : i32
      %add3A_114 = arith.addi %mul3A_112, %add3A_113 : i32
      %dma_wait3A_115 = arith.constant 2 : i32
      %dma_wait3A_116 = arith.constant 0 : i32
      %dma_wait3A_117 = arith.constant 0 : i32
      %dma_wait3A_118 = tpu.memref_slice %arg6[%dma_wait3A_115, %dma_wait3A_116, %dma_wait3A_117] : memref<4x128x32xf32, #tpu.memory_space<vmem>> -> memref<1x128x32xf32, #tpu.memory_space<vmem>>
      %dma_wait3A_119 = tpu.memref_squeeze %dma_wait3A_118 : memref<1x128x32xf32, #tpu.memory_space<vmem>> -> memref<128x32xf32, #tpu.memory_space<vmem>>
      %dma_wait3A_120 = arith.constant 0 : i32
      %dma_wait3A_121 = arith.constant 0 : i32
      %dma_wait3A_122 = tpu.memref_slice %arg4[%dma_wait3A_120, %dma_wait3A_121] : memref<458752x32xf32, #tpu.memory_space<hbm>> -> memref<128x32xf32, #tpu.memory_space<hbm>>
      %dma_wait3A_123 = arith.constant 0 : i32
      %dma_wait3A_124 = arith.constant 0 : i32
      %dma_wait3A_125 = tpu.memref_slice %arg6[%dma_wait3A_115, %dma_wait3A_123, %dma_wait3A_124] : memref<4x128x32xf32, #tpu.memory_space<vmem>> -> memref<1x128x32xf32, #tpu.memory_space<vmem>>
      %dma_wait3A_126 = tpu.memref_squeeze %dma_wait3A_125 : memref<1x128x32xf32, #tpu.memory_space<vmem>> -> memref<128x32xf32, #tpu.memory_space<vmem>>
      %dma_wait3A_127 = arith.constant 0 : i32
      %dma_wait3A_128 = arith.constant 0 : i32
      %dma_wait3A_129 = tpu.memref_slice %arg4[%dma_wait3A_127, %dma_wait3A_128] : memref<458752x32xf32, #tpu.memory_space<hbm>> -> memref<128x32xf32, #tpu.memory_space<hbm>>
      tpu.wait_dma2 semaphore(%arg9 : memref<!tpu.dma_semaphore, #tpu.memory_space<semaphore_mem>>) src(%dma_wait3A_129 : memref<128x32xf32, #tpu.memory_space<hbm>>) dst(%dma_wait3A_126 : memref<128x32xf32, #tpu.memory_space<vmem>>)
      %add3A_130 = arith.addi %mul3A_2, %add3A_114 : i32
      %mul3A_131 = arith.constant 128 : i32
      %mul3A_132 = arith.muli %add3A_130, %mul3A_131 : i32
      %run_scoped3A_133 = arith.constant 2 : i32
      "tpu.region"() ({
        %run_scoped3A_171 = tpu.sem_alloc : memref<!tpu.dma_semaphore, #tpu.memory_space<semaphore_mem>>
        %dma_start3A_172 = arith.constant 0 : i32
        %dma_start3A_173 = arith.constant 0 : i32
        %dma_start3A_174 = tpu.memref_slice %arg6[%run_scoped3A_133, %dma_start3A_172, %dma_start3A_173] : memref<4x128x32xf32, #tpu.memory_space<vmem>> -> memref<1x128x32xf32, #tpu.memory_space<vmem>>
        %dma_start3A_175 = tpu.memref_squeeze %dma_start3A_174 : memref<1x128x32xf32, #tpu.memory_space<vmem>> -> memref<128x32xf32, #tpu.memory_space<vmem>>
        %dma_start3A_176 = arith.constant 0 : i32
        %dma_start3A_177 = tpu.memref_slice %arg4[%mul3A_132, %dma_start3A_176] : memref<458752x32xf32, #tpu.memory_space<hbm>> -> memref<128x32xf32, #tpu.memory_space<hbm>>
        %dma_start3A_178 = arith.constant 0 : i32
        %dma_start3A_179 = tpu.memref_slice %arg4[%mul3A_132, %dma_start3A_178] : memref<458752x32xf32, #tpu.memory_space<hbm>> -> memref<128x32xf32, #tpu.memory_space<hbm>>
        %dma_start3A_180 = arith.constant 0 : i32
        %dma_start3A_181 = arith.constant 0 : i32
        %dma_start3A_182 = tpu.memref_slice %arg6[%run_scoped3A_133, %dma_start3A_180, %dma_start3A_181] : memref<4x128x32xf32, #tpu.memory_space<vmem>> -> memref<1x128x32xf32, #tpu.memory_space<vmem>>
        %dma_start3A_183 = tpu.memref_squeeze %dma_start3A_182 : memref<1x128x32xf32, #tpu.memory_space<vmem>> -> memref<128x32xf32, #tpu.memory_space<vmem>>
        tpu.enqueue_dma source(%dma_start3A_183 : memref<128x32xf32, #tpu.memory_space<vmem>>) target(%dma_start3A_179 : memref<128x32xf32, #tpu.memory_space<hbm>>) target_semaphore(%run_scoped3A_171 : memref<!tpu.dma_semaphore, #tpu.memory_space<semaphore_mem>>)
        %dma_wait3A_184 = arith.constant 0 : i32
        %dma_wait3A_185 = arith.constant 0 : i32
        %dma_wait3A_186 = tpu.memref_slice %arg6[%run_scoped3A_133, %dma_wait3A_184, %dma_wait3A_185] : memref<4x128x32xf32, #tpu.memory_space<vmem>> -> memref<1x128x32xf32, #tpu.memory_space<vmem>>
        %dma_wait3A_187 = tpu.memref_squeeze %dma_wait3A_186 : memref<1x128x32xf32, #tpu.memory_space<vmem>> -> memref<128x32xf32, #tpu.memory_space<vmem>>
        %dma_wait3A_188 = arith.constant 0 : i32
        %dma_wait3A_189 = tpu.memref_slice %arg4[%mul3A_132, %dma_wait3A_188] : memref<458752x32xf32, #tpu.memory_space<hbm>> -> memref<128x32xf32, #tpu.memory_space<hbm>>
        %dma_wait3A_190 = arith.constant 0 : i32
        %dma_wait3A_191 = tpu.memref_slice %arg4[%mul3A_132, %dma_wait3A_190] : memref<458752x32xf32, #tpu.memory_space<hbm>> -> memref<128x32xf32, #tpu.memory_space<hbm>>
        %dma_wait3A_192 = arith.constant 0 : i32
        %dma_wait3A_193 = arith.constant 0 : i32
        %dma_wait3A_194 = tpu.memref_slice %arg6[%run_scoped3A_133, %dma_wait3A_192, %dma_wait3A_193] : memref<4x128x32xf32, #tpu.memory_space<vmem>> -> memref<1x128x32xf32, #tpu.memory_space<vmem>>
        %dma_wait3A_195 = tpu.memref_squeeze %dma_wait3A_194 : memref<1x128x32xf32, #tpu.memory_space<vmem>> -> memref<128x32xf32, #tpu.memory_space<vmem>>
        tpu.wait_dma2 semaphore(%run_scoped3A_171 : memref<!tpu.dma_semaphore, #tpu.memory_space<semaphore_mem>>) src(%dma_wait3A_195 : memref<128x32xf32, #tpu.memory_space<vmem>>) dst(%dma_wait3A_191 : memref<128x32xf32, #tpu.memory_space<hbm>>)
        tpu.yield
      }) : () -> ()
      %add3A_134 = arith.constant 4 : i32
      %add3A_135 = arith.addi %add3A_114, %add3A_134 : i32
      %lt3A_136 = arith.constant 112 : i32
      %lt3A_137 = arith.cmpi slt, %add3A_135, %lt3A_136 : i32
      %convert_element_type3A_138 = arith.extui %lt3A_137 : i1 to i32
      %cond3A_139 = arith.constant 0 : i32
      %cond3A_140 = arith.cmpi ne, %convert_element_type3A_138, %cond3A_139 : i32
      scf.if %cond3A_140 {
        %dma_start3A_171 = arith.constant 2 : i32
        %dma_start3A_172 = arith.constant 0 : i32
        %dma_start3A_173 = arith.constant 0 : i32
        %dma_start3A_174 = tpu.memref_slice %arg6[%dma_start3A_171, %dma_start3A_172, %dma_start3A_173] : memref<4x128x32xf32, #tpu.memory_space<vmem>> -> memref<1x128x32xf32, #tpu.memory_space<vmem>>
        %dma_start3A_175 = tpu.memref_squeeze %dma_start3A_174 : memref<1x128x32xf32, #tpu.memory_space<vmem>> -> memref<128x32xf32, #tpu.memory_space<vmem>>
        %dma_start3A_176 = arith.constant 0 : i32
        %dma_start3A_177 = tpu.memref_slice %arg5[%add3A_135, %dma_start3A_176] : memref<112x128xi32, #tpu.memory_space<vmem>> -> memref<1x128xi32, #tpu.memory_space<vmem>>
        %dma_start3A_178 = tpu.memref_squeeze %dma_start3A_177 : memref<1x128xi32, #tpu.memory_space<vmem>> -> memref<128xi32, #tpu.memory_space<vmem>>
        %dma_start3A_179 = arith.constant 0 : i32
        %dma_start3A_180 = arith.constant 0 : i32
        %dma_start3A_181 = tpu.memref_slice %arg2[%dma_start3A_179, %dma_start3A_180] : memref<2600000x32xf32, #tpu.memory_space<hbm>> -> memref<2600000x32xf32, #tpu.memory_space<hbm>>
        tpu.enqueue_indirect_dma source(%dma_start3A_181 : memref<2600000x32xf32, #tpu.memory_space<hbm>>) target(%dma_start3A_175 : memref<128x32xf32, #tpu.memory_space<vmem>>) offsets(%dma_start3A_178 : memref<128xi32, #tpu.memory_space<vmem>>) semaphore(%arg9 : memref<!tpu.dma_semaphore, #tpu.memory_space<semaphore_mem>>)
      } else {
      }
      %mul3A_141 = arith.constant 4 : i32
      %mul3A_142 = arith.muli %scan3A_55, %mul3A_141 : i32
      %add3A_143 = arith.constant 3 : i32
      %add3A_144 = arith.addi %mul3A_142, %add3A_143 : i32
      %dma_wait3A_145 = arith.constant 3 : i32
      %dma_wait3A_146 = arith.constant 0 : i32
      %dma_wait3A_147 = arith.constant 0 : i32
      %dma_wait3A_148 = tpu.memref_slice %arg6[%dma_wait3A_145, %dma_wait3A_146, %dma_wait3A_147] : memref<4x128x32xf32, #tpu.memory_space<vmem>> -> memref<1x128x32xf32, #tpu.memory_space<vmem>>
      %dma_wait3A_149 = tpu.memref_squeeze %dma_wait3A_148 : memref<1x128x32xf32, #tpu.memory_space<vmem>> -> memref<128x32xf32, #tpu.memory_space<vmem>>
      %dma_wait3A_150 = arith.constant 0 : i32
      %dma_wait3A_151 = arith.constant 0 : i32
      %dma_wait3A_152 = tpu.memref_slice %arg4[%dma_wait3A_150, %dma_wait3A_151] : memref<458752x32xf32, #tpu.memory_space<hbm>> -> memref<128x32xf32, #tpu.memory_space<hbm>>
      %dma_wait3A_153 = arith.constant 0 : i32
      %dma_wait3A_154 = arith.constant 0 : i32
      %dma_wait3A_155 = tpu.memref_slice %arg6[%dma_wait3A_145, %dma_wait3A_153, %dma_wait3A_154] : memref<4x128x32xf32, #tpu.memory_space<vmem>> -> memref<1x128x32xf32, #tpu.memory_space<vmem>>
      %dma_wait3A_156 = tpu.memref_squeeze %dma_wait3A_155 : memref<1x128x32xf32, #tpu.memory_space<vmem>> -> memref<128x32xf32, #tpu.memory_space<vmem>>
      %dma_wait3A_157 = arith.constant 0 : i32
      %dma_wait3A_158 = arith.constant 0 : i32
      %dma_wait3A_159 = tpu.memref_slice %arg4[%dma_wait3A_157, %dma_wait3A_158] : memref<458752x32xf32, #tpu.memory_space<hbm>> -> memref<128x32xf32, #tpu.memory_space<hbm>>
      tpu.wait_dma2 semaphore(%arg10 : memref<!tpu.dma_semaphore, #tpu.memory_space<semaphore_mem>>) src(%dma_wait3A_159 : memref<128x32xf32, #tpu.memory_space<hbm>>) dst(%dma_wait3A_156 : memref<128x32xf32, #tpu.memory_space<vmem>>)
      %add3A_160 = arith.addi %mul3A_2, %add3A_144 : i32
      %mul3A_161 = arith.constant 128 : i32
      %mul3A_162 = arith.muli %add3A_160, %mul3A_161 : i32
      %run_scoped3A_163 = arith.constant 3 : i32
      "tpu.region"() ({
        %run_scoped3A_171 = tpu.sem_alloc : memref<!tpu.dma_semaphore, #tpu.memory_space<semaphore_mem>>
        %dma_start3A_172 = arith.constant 0 : i32
        %dma_start3A_173 = arith.constant 0 : i32
        %dma_start3A_174 = tpu.memref_slice %arg6[%run_scoped3A_163, %dma_start3A_172, %dma_start3A_173] : memref<4x128x32xf32, #tpu.memory_space<vmem>> -> memref<1x128x32xf32, #tpu.memory_space<vmem>>
        %dma_start3A_175 = tpu.memref_squeeze %dma_start3A_174 : memref<1x128x32xf32, #tpu.memory_space<vmem>> -> memref<128x32xf32, #tpu.memory_space<vmem>>
        %dma_start3A_176 = arith.constant 0 : i32
        %dma_start3A_177 = tpu.memref_slice %arg4[%mul3A_162, %dma_start3A_176] : memref<458752x32xf32, #tpu.memory_space<hbm>> -> memref<128x32xf32, #tpu.memory_space<hbm>>
        %dma_start3A_178 = arith.constant 0 : i32
        %dma_start3A_179 = tpu.memref_slice %arg4[%mul3A_162, %dma_start3A_178] : memref<458752x32xf32, #tpu.memory_space<hbm>> -> memref<128x32xf32, #tpu.memory_space<hbm>>
        %dma_start3A_180 = arith.constant 0 : i32
        %dma_start3A_181 = arith.constant 0 : i32
        %dma_start3A_182 = tpu.memref_slice %arg6[%run_scoped3A_163, %dma_start3A_180, %dma_start3A_181] : memref<4x128x32xf32, #tpu.memory_space<vmem>> -> memref<1x128x32xf32, #tpu.memory_space<vmem>>
        %dma_start3A_183 = tpu.memref_squeeze %dma_start3A_182 : memref<1x128x32xf32, #tpu.memory_space<vmem>> -> memref<128x32xf32, #tpu.memory_space<vmem>>
        tpu.enqueue_dma source(%dma_start3A_183 : memref<128x32xf32, #tpu.memory_space<vmem>>) target(%dma_start3A_179 : memref<128x32xf32, #tpu.memory_space<hbm>>) target_semaphore(%run_scoped3A_171 : memref<!tpu.dma_semaphore, #tpu.memory_space<semaphore_mem>>)
        %dma_wait3A_184 = arith.constant 0 : i32
        %dma_wait3A_185 = arith.constant 0 : i32
        %dma_wait3A_186 = tpu.memref_slice %arg6[%run_scoped3A_163, %dma_wait3A_184, %dma_wait3A_185] : memref<4x128x32xf32, #tpu.memory_space<vmem>> -> memref<1x128x32xf32, #tpu.memory_space<vmem>>
        %dma_wait3A_187 = tpu.memref_squeeze %dma_wait3A_186 : memref<1x128x32xf32, #tpu.memory_space<vmem>> -> memref<128x32xf32, #tpu.memory_space<vmem>>
        %dma_wait3A_188 = arith.constant 0 : i32
        %dma_wait3A_189 = tpu.memref_slice %arg4[%mul3A_162, %dma_wait3A_188] : memref<458752x32xf32, #tpu.memory_space<hbm>> -> memref<128x32xf32, #tpu.memory_space<hbm>>
        %dma_wait3A_190 = arith.constant 0 : i32
        %dma_wait3A_191 = tpu.memref_slice %arg4[%mul3A_162, %dma_wait3A_190] : memref<458752x32xf32, #tpu.memory_space<hbm>> -> memref<128x32xf32, #tpu.memory_space<hbm>>
        %dma_wait3A_192 = arith.constant 0 : i32
        %dma_wait3A_193 = arith.constant 0 : i32
        %dma_wait3A_194 = tpu.memref_slice %arg6[%run_scoped3A_163, %dma_wait3A_192, %dma_wait3A_193] : memref<4x128x32xf32, #tpu.memory_space<vmem>> -> memref<1x128x32xf32, #tpu.memory_space<vmem>>
        %dma_wait3A_195 = tpu.memref_squeeze %dma_wait3A_194 : memref<1x128x32xf32, #tpu.memory_space<vmem>> -> memref<128x32xf32, #tpu.memory_space<vmem>>
        tpu.wait_dma2 semaphore(%run_scoped3A_171 : memref<!tpu.dma_semaphore, #tpu.memory_space<semaphore_mem>>) src(%dma_wait3A_195 : memref<128x32xf32, #tpu.memory_space<vmem>>) dst(%dma_wait3A_191 : memref<128x32xf32, #tpu.memory_space<hbm>>)
        tpu.yield
      }) : () -> ()
      %add3A_164 = arith.constant 4 : i32
      %add3A_165 = arith.addi %add3A_144, %add3A_164 : i32
      %lt3A_166 = arith.constant 112 : i32
      %lt3A_167 = arith.cmpi slt, %add3A_165, %lt3A_166 : i32
      %convert_element_type3A_168 = arith.extui %lt3A_167 : i1 to i32
      %cond3A_169 = arith.constant 0 : i32
      %cond3A_170 = arith.cmpi ne, %convert_element_type3A_168, %cond3A_169 : i32
      scf.if %cond3A_170 {
        %dma_start3A_171 = arith.constant 3 : i32
        %dma_start3A_172 = arith.constant 0 : i32
        %dma_start3A_173 = arith.constant 0 : i32
        %dma_start3A_174 = tpu.memref_slice %arg6[%dma_start3A_171, %dma_start3A_172, %dma_start3A_173] : memref<4x128x32xf32, #tpu.memory_space<vmem>> -> memref<1x128x32xf32, #tpu.memory_space<vmem>>
        %dma_start3A_175 = tpu.memref_squeeze %dma_start3A_174 : memref<1x128x32xf32, #tpu.memory_space<vmem>> -> memref<128x32xf32, #tpu.memory_space<vmem>>
        %dma_start3A_176 = arith.constant 0 : i32
        %dma_start3A_177 = tpu.memref_slice %arg5[%add3A_165, %dma_start3A_176] : memref<112x128xi32, #tpu.memory_space<vmem>> -> memref<1x128xi32, #tpu.memory_space<vmem>>
        %dma_start3A_178 = tpu.memref_squeeze %dma_start3A_177 : memref<1x128xi32, #tpu.memory_space<vmem>> -> memref<128xi32, #tpu.memory_space<vmem>>
        %dma_start3A_179 = arith.constant 0 : i32
        %dma_start3A_180 = arith.constant 0 : i32
        %dma_start3A_181 = tpu.memref_slice %arg2[%dma_start3A_179, %dma_start3A_180] : memref<2600000x32xf32, #tpu.memory_space<hbm>> -> memref<2600000x32xf32, #tpu.memory_space<hbm>>
        tpu.enqueue_indirect_dma source(%dma_start3A_181 : memref<2600000x32xf32, #tpu.memory_space<hbm>>) target(%dma_start3A_175 : memref<128x32xf32, #tpu.memory_space<vmem>>) offsets(%dma_start3A_178 : memref<128xi32, #tpu.memory_space<vmem>>) semaphore(%arg10 : memref<!tpu.dma_semaphore, #tpu.memory_space<semaphore_mem>>)
      } else {
      }
    }
    %scan3A_54 = arith.constant 28 : i32
    return
  }
}

module attributes {stable_mosaic.version = 14 : i64} {
  func.func @_tc_body(%arg0: i32, %arg1: memref<512x13xf32, #tpu.memory_space<vmem>>, %arg2: memref<64x7x8x128xf32, #tpu.memory_space<vmem>>, %arg3: memref<845x256xf32, #tpu.memory_space<vmem>>, %arg4: memref<845x3xf32, #tpu.memory_space<vmem>>, %arg5: memref<256x128xf32, #tpu.memory_space<vmem>>, %arg6: memref<128x64xf32, #tpu.memory_space<vmem>>, %arg7: memref<909x1xf32, #tpu.memory_space<vmem>>, %arg8: memref<1x256xf32, #tpu.memory_space<vmem>>, %arg9: memref<1x128xf32, #tpu.memory_space<vmem>>, %arg10: memref<1x64xf32, #tpu.memory_space<vmem>>, %arg11: memref<1x3xf32, #tpu.memory_space<vmem>>, %arg12: memref<1x1xf32, #tpu.memory_space<vmem>>, %arg13: memref<512x1xf32, #tpu.memory_space<vmem>>) attributes {dimension_semantics = [#tpu.dimension_semantics<arbitrary>], iteration_bounds = array<i64: 32>, scalar_prefetch = 0 : i64, scratch_operands = 0 : i64, tpu.core_type = #tpu.core_type<tc>, window_params = [{transform_indices = @transform_0, window_bounds = array<i64: 512, 13>}, {transform_indices = @transform_1, window_bounds = array<i64: 64, 7, 8, 128>}, {pipeline_mode = #tpu.pipeline_mode<synchronous>, transform_indices = @transform_2, window_bounds = array<i64: 845, 256>}, {pipeline_mode = #tpu.pipeline_mode<synchronous>, transform_indices = @transform_3, window_bounds = array<i64: 845, 3>}, {pipeline_mode = #tpu.pipeline_mode<synchronous>, transform_indices = @transform_4, window_bounds = array<i64: 256, 128>}, {pipeline_mode = #tpu.pipeline_mode<synchronous>, transform_indices = @transform_5, window_bounds = array<i64: 128, 64>}, {pipeline_mode = #tpu.pipeline_mode<synchronous>, transform_indices = @transform_6, window_bounds = array<i64: 909, 1>}, {pipeline_mode = #tpu.pipeline_mode<synchronous>, transform_indices = @transform_7, window_bounds = array<i64: 1, 256>}, {pipeline_mode = #tpu.pipeline_mode<synchronous>, transform_indices = @transform_8, window_bounds = array<i64: 1, 128>}, {pipeline_mode = #tpu.pipeline_mode<synchronous>, transform_indices = @transform_9, window_bounds = array<i64: 1, 64>}, {pipeline_mode = #tpu.pipeline_mode<synchronous>, transform_indices = @transform_10, window_bounds = array<i64: 1, 3>}, {pipeline_mode = #tpu.pipeline_mode<synchronous>, transform_indices = @transform_11, window_bounds = array<i64: 1, 1>}, {transform_indices = @transform_12, window_bounds = array<i64: 512, 1>}]} {
    %get3A = arith.constant 0 : index
    %get3A_0 = arith.constant 0 : index
    %get3A_1 = arith.constant 0 : index
    %get3A_2 = arith.constant 0 : index
    %get3A_3 = vector.load %arg2[%get3A, %get3A_0, %get3A_1, %get3A_2] : memref<64x7x8x128xf32, #tpu.memory_space<vmem>>, vector<64x7x8x128xf32>
    %get3A_4 = arith.constant 0 : index
    %get3A_5 = arith.constant 0 : index
    %get3A_6 = vector.load %arg1[%get3A_4, %get3A_5] : memref<512x13xf32, #tpu.memory_space<vmem>>, vector<512x13xf32>
    %slice3A = vector.extract_strided_slice %get3A_3 {offsets = [0, 0, 0, 0], sizes = [64, 1, 8, 128], strides = [1, 1, 1, 1]} : vector<64x7x8x128xf32> to vector<64x1x8x128xf32>
    %squeeze3A = vector.shape_cast %slice3A : vector<64x1x8x128xf32> to vector<64x8x128xf32>
    %reshape3A = vector.shape_cast %squeeze3A : vector<64x8x128xf32> to vector<512x128xf32>
    %slice3A_7 = vector.extract_strided_slice %get3A_3 {offsets = [0, 1, 0, 0], sizes = [64, 1, 8, 128], strides = [1, 1, 1, 1]} : vector<64x7x8x128xf32> to vector<64x1x8x128xf32>
    %squeeze3A_8 = vector.shape_cast %slice3A_7 : vector<64x1x8x128xf32> to vector<64x8x128xf32>
    %reshape3A_9 = vector.shape_cast %squeeze3A_8 : vector<64x8x128xf32> to vector<512x128xf32>
    %slice3A_10 = vector.extract_strided_slice %get3A_3 {offsets = [0, 2, 0, 0], sizes = [64, 1, 8, 128], strides = [1, 1, 1, 1]} : vector<64x7x8x128xf32> to vector<64x1x8x128xf32>
    %squeeze3A_11 = vector.shape_cast %slice3A_10 : vector<64x1x8x128xf32> to vector<64x8x128xf32>
    %reshape3A_12 = vector.shape_cast %squeeze3A_11 : vector<64x8x128xf32> to vector<512x128xf32>
    %slice3A_13 = vector.extract_strided_slice %get3A_3 {offsets = [0, 3, 0, 0], sizes = [64, 1, 8, 128], strides = [1, 1, 1, 1]} : vector<64x7x8x128xf32> to vector<64x1x8x128xf32>
    %squeeze3A_14 = vector.shape_cast %slice3A_13 : vector<64x1x8x128xf32> to vector<64x8x128xf32>
    %reshape3A_15 = vector.shape_cast %squeeze3A_14 : vector<64x8x128xf32> to vector<512x128xf32>
    %slice3A_16 = vector.extract_strided_slice %get3A_3 {offsets = [0, 4, 0, 0], sizes = [64, 1, 8, 128], strides = [1, 1, 1, 1]} : vector<64x7x8x128xf32> to vector<64x1x8x128xf32>
    %squeeze3A_17 = vector.shape_cast %slice3A_16 : vector<64x1x8x128xf32> to vector<64x8x128xf32>
    %reshape3A_18 = vector.shape_cast %squeeze3A_17 : vector<64x8x128xf32> to vector<512x128xf32>
    %slice3A_19 = vector.extract_strided_slice %get3A_3 {offsets = [0, 5, 0, 0], sizes = [64, 1, 8, 128], strides = [1, 1, 1, 1]} : vector<64x7x8x128xf32> to vector<64x1x8x128xf32>
    %squeeze3A_20 = vector.shape_cast %slice3A_19 : vector<64x1x8x128xf32> to vector<64x8x128xf32>
    %reshape3A_21 = vector.shape_cast %squeeze3A_20 : vector<64x8x128xf32> to vector<512x128xf32>
    %slice3A_22 = vector.extract_strided_slice %get3A_3 {offsets = [0, 6, 0, 0], sizes = [64, 1, 8, 128], strides = [1, 1, 1, 1]} : vector<64x7x8x128xf32> to vector<64x1x8x128xf32>
    %squeeze3A_23 = vector.shape_cast %slice3A_22 : vector<64x1x8x128xf32> to vector<64x8x128xf32>
    %reshape3A_24 = vector.shape_cast %squeeze3A_23 : vector<64x8x128xf32> to vector<512x128xf32>
    %concatenate3A = tpu.concatenate %get3A_6, %reshape3A, %reshape3A_9, %reshape3A_12, %reshape3A_15, %reshape3A_18, %reshape3A_21, %reshape3A_24 in 1 : vector<512x13xf32>, vector<512x128xf32>, vector<512x128xf32>, vector<512x128xf32>, vector<512x128xf32>, vector<512x128xf32>, vector<512x128xf32>, vector<512x128xf32> -> vector<512x909xf32>
    %slice3A_25 = vector.extract_strided_slice %concatenate3A {offsets = [0, 0], sizes = [512, 845], strides = [1, 1]} : vector<512x909xf32> to vector<512x845xf32>
    %get3A_26 = arith.constant 0 : index
    %get3A_27 = arith.constant 0 : index
    %get3A_28 = vector.load %arg11[%get3A_26, %get3A_27] : memref<1x3xf32, #tpu.memory_space<vmem>>, vector<1x3xf32>
    %get3A_29 = arith.constant 0 : index
    %get3A_30 = arith.constant 0 : index
    %get3A_31 = vector.load %arg4[%get3A_29, %get3A_30] : memref<845x3xf32, #tpu.memory_space<vmem>>, vector<845x3xf32>
    %slice3A_32 = vector.extract_strided_slice %get3A_31 {offsets = [0, 0], sizes = [845, 1], strides = [1, 1]} : vector<845x3xf32> to vector<845x1xf32>
    %convert_element_type3A = arith.truncf %slice3A_25 : vector<512x845xf32> to vector<512x845xbf16>
    %convert_element_type3A_33 = arith.truncf %slice3A_32 : vector<845x1xf32> to vector<845x1xbf16>
    %dot_general3A = arith.constant dense<0.000000e+00> : vector<512x1xf32>
    %dot_general3A_34 = tpu.matmul %convert_element_type3A, %convert_element_type3A_33, %dot_general3A {dimension_numbers = #tpu.dot_dimension_numbers<[1], [0], [0], [1], [0, 0, 1, 1], [], []>, transpose_lhs_hint = false} : vector<512x845xbf16>, vector<845x1xbf16>, vector<512x1xf32> -> vector<512x1xf32>
    %mul3A = vector.broadcast %dot_general3A_34 : vector<512x1xf32> to vector<512x845xf32>
    %mul3A_35 = arith.mulf %slice3A_25, %mul3A : vector<512x845xf32>
    %slice3A_36 = vector.extract_strided_slice %get3A_28 {offsets = [0, 0], sizes = [1, 1], strides = [1, 1]} : vector<1x3xf32> to vector<1x1xf32>
    %add3A = vector.broadcast %slice3A_36 : vector<1x1xf32> to vector<512x845xf32>
    %add3A_37 = arith.addf %mul3A_35, %add3A : vector<512x845xf32>
    %add3A_38 = arith.addf %add3A_37, %slice3A_25 : vector<512x845xf32>
    %slice3A_39 = vector.extract_strided_slice %get3A_31 {offsets = [0, 1], sizes = [845, 1], strides = [1, 1]} : vector<845x3xf32> to vector<845x1xf32>
    %convert_element_type3A_40 = arith.truncf %add3A_38 : vector<512x845xf32> to vector<512x845xbf16>
    %convert_element_type3A_41 = arith.truncf %slice3A_39 : vector<845x1xf32> to vector<845x1xbf16>
    %dot_general3A_42 = arith.constant dense<0.000000e+00> : vector<512x1xf32>
    %dot_general3A_43 = tpu.matmul %convert_element_type3A_40, %convert_element_type3A_41, %dot_general3A_42 {dimension_numbers = #tpu.dot_dimension_numbers<[1], [0], [0], [1], [0, 0, 1, 1], [], []>, transpose_lhs_hint = false} : vector<512x845xbf16>, vector<845x1xbf16>, vector<512x1xf32> -> vector<512x1xf32>
    %mul3A_44 = vector.broadcast %dot_general3A_43 : vector<512x1xf32> to vector<512x845xf32>
    %mul3A_45 = arith.mulf %slice3A_25, %mul3A_44 : vector<512x845xf32>
    %slice3A_46 = vector.extract_strided_slice %get3A_28 {offsets = [0, 1], sizes = [1, 1], strides = [1, 1]} : vector<1x3xf32> to vector<1x1xf32>
    %add3A_47 = vector.broadcast %slice3A_46 : vector<1x1xf32> to vector<512x845xf32>
    %add3A_48 = arith.addf %mul3A_45, %add3A_47 : vector<512x845xf32>
    %add3A_49 = arith.addf %add3A_48, %add3A_38 : vector<512x845xf32>
    %slice3A_50 = vector.extract_strided_slice %get3A_31 {offsets = [0, 2], sizes = [845, 1], strides = [1, 1]} : vector<845x3xf32> to vector<845x1xf32>
    %convert_element_type3A_51 = arith.truncf %add3A_49 : vector<512x845xf32> to vector<512x845xbf16>
    %convert_element_type3A_52 = arith.truncf %slice3A_50 : vector<845x1xf32> to vector<845x1xbf16>
    %dot_general3A_53 = arith.constant dense<0.000000e+00> : vector<512x1xf32>
    %dot_general3A_54 = tpu.matmul %convert_element_type3A_51, %convert_element_type3A_52, %dot_general3A_53 {dimension_numbers = #tpu.dot_dimension_numbers<[1], [0], [0], [1], [0, 0, 1, 1], [], []>, transpose_lhs_hint = false} : vector<512x845xbf16>, vector<845x1xbf16>, vector<512x1xf32> -> vector<512x1xf32>
    %mul3A_55 = vector.broadcast %dot_general3A_54 : vector<512x1xf32> to vector<512x845xf32>
    %mul3A_56 = arith.mulf %slice3A_25, %mul3A_55 : vector<512x845xf32>
    %slice3A_57 = vector.extract_strided_slice %get3A_28 {offsets = [0, 2], sizes = [1, 1], strides = [1, 1]} : vector<1x3xf32> to vector<1x1xf32>
    %add3A_58 = vector.broadcast %slice3A_57 : vector<1x1xf32> to vector<512x845xf32>
    %add3A_59 = arith.addf %mul3A_56, %add3A_58 : vector<512x845xf32>
    %add3A_60 = arith.addf %add3A_59, %add3A_49 : vector<512x845xf32>
    %get3A_61 = arith.constant 0 : index
    %get3A_62 = arith.constant 0 : index
    %get3A_63 = vector.load %arg3[%get3A_61, %get3A_62] : memref<845x256xf32, #tpu.memory_space<vmem>>, vector<845x256xf32>
    %convert_element_type3A_64 = arith.truncf %slice3A_25 : vector<512x845xf32> to vector<512x845xbf16>
    %convert_element_type3A_65 = arith.truncf %get3A_63 : vector<845x256xf32> to vector<845x256xbf16>
    %dot_general3A_66 = arith.constant dense<0.000000e+00> : vector<512x256xf32>
    %dot_general3A_67 = tpu.matmul %convert_element_type3A_64, %convert_element_type3A_65, %dot_general3A_66 {dimension_numbers = #tpu.dot_dimension_numbers<[1], [0], [0], [1], [0, 0, 1, 1], [], []>, transpose_lhs_hint = false} : vector<512x845xbf16>, vector<845x256xbf16>, vector<512x256xf32> -> vector<512x256xf32>
    %get3A_68 = arith.constant 0 : index
    %get3A_69 = arith.constant 0 : index
    %get3A_70 = vector.load %arg8[%get3A_68, %get3A_69] : memref<1x256xf32, #tpu.memory_space<vmem>>, vector<1x256xf32>
    %add3A_71 = vector.broadcast %get3A_70 : vector<1x256xf32> to vector<512x256xf32>
    %add3A_72 = arith.addf %dot_general3A_67, %add3A_71 : vector<512x256xf32>
    %max3A = arith.constant 0.000000e+00 : f32
    %max3A_73 = vector.broadcast %max3A : f32 to vector<512x256xf32>
    %max3A_74 = arith.maximumf %add3A_72, %max3A_73 : vector<512x256xf32>
    %get3A_75 = arith.constant 0 : index
    %get3A_76 = arith.constant 0 : index
    %get3A_77 = vector.load %arg5[%get3A_75, %get3A_76] : memref<256x128xf32, #tpu.memory_space<vmem>>, vector<256x128xf32>
    %convert_element_type3A_78 = arith.truncf %max3A_74 : vector<512x256xf32> to vector<512x256xbf16>
    %convert_element_type3A_79 = arith.truncf %get3A_77 : vector<256x128xf32> to vector<256x128xbf16>
    %dot_general3A_80 = arith.constant dense<0.000000e+00> : vector<512x128xf32>
    %dot_general3A_81 = tpu.matmul %convert_element_type3A_78, %convert_element_type3A_79, %dot_general3A_80 {dimension_numbers = #tpu.dot_dimension_numbers<[1], [0], [0], [1], [0, 0, 1, 1], [], []>, transpose_lhs_hint = false} : vector<512x256xbf16>, vector<256x128xbf16>, vector<512x128xf32> -> vector<512x128xf32>
    %get3A_82 = arith.constant 0 : index
    %get3A_83 = arith.constant 0 : index
    %get3A_84 = vector.load %arg9[%get3A_82, %get3A_83] : memref<1x128xf32, #tpu.memory_space<vmem>>, vector<1x128xf32>
    %add3A_85 = vector.broadcast %get3A_84 : vector<1x128xf32> to vector<512x128xf32>
    %add3A_86 = arith.addf %dot_general3A_81, %add3A_85 : vector<512x128xf32>
    %max3A_87 = arith.constant 0.000000e+00 : f32
    %max3A_88 = vector.broadcast %max3A_87 : f32 to vector<512x128xf32>
    %max3A_89 = arith.maximumf %add3A_86, %max3A_88 : vector<512x128xf32>
    %get3A_90 = arith.constant 0 : index
    %get3A_91 = arith.constant 0 : index
    %get3A_92 = vector.load %arg6[%get3A_90, %get3A_91] : memref<128x64xf32, #tpu.memory_space<vmem>>, vector<128x64xf32>
    %convert_element_type3A_93 = arith.truncf %max3A_89 : vector<512x128xf32> to vector<512x128xbf16>
    %convert_element_type3A_94 = arith.truncf %get3A_92 : vector<128x64xf32> to vector<128x64xbf16>
    %dot_general3A_95 = arith.constant dense<0.000000e+00> : vector<512x64xf32>
    %dot_general3A_96 = tpu.matmul %convert_element_type3A_93, %convert_element_type3A_94, %dot_general3A_95 {dimension_numbers = #tpu.dot_dimension_numbers<[1], [0], [0], [1], [0, 0, 1, 1], [], []>, transpose_lhs_hint = false} : vector<512x128xbf16>, vector<128x64xbf16>, vector<512x64xf32> -> vector<512x64xf32>
    %get3A_97 = arith.constant 0 : index
    %get3A_98 = arith.constant 0 : index
    %get3A_99 = vector.load %arg10[%get3A_97, %get3A_98] : memref<1x64xf32, #tpu.memory_space<vmem>>, vector<1x64xf32>
    %add3A_100 = vector.broadcast %get3A_99 : vector<1x64xf32> to vector<512x64xf32>
    %add3A_101 = arith.addf %dot_general3A_96, %add3A_100 : vector<512x64xf32>
    %max3A_102 = arith.constant 0.000000e+00 : f32
    %max3A_103 = vector.broadcast %max3A_102 : f32 to vector<512x64xf32>
    %max3A_104 = arith.maximumf %add3A_101, %max3A_103 : vector<512x64xf32>
    %concatenate3A_105 = tpu.concatenate %add3A_60, %max3A_104 in 1 : vector<512x845xf32>, vector<512x64xf32> -> vector<512x909xf32>
    %get3A_106 = arith.constant 0 : index
    %get3A_107 = arith.constant 0 : index
    %get3A_108 = vector.load %arg7[%get3A_106, %get3A_107] : memref<909x1xf32, #tpu.memory_space<vmem>>, vector<909x1xf32>
    %convert_element_type3A_109 = arith.truncf %concatenate3A_105 : vector<512x909xf32> to vector<512x909xbf16>
    %convert_element_type3A_110 = arith.truncf %get3A_108 : vector<909x1xf32> to vector<909x1xbf16>
    %dot_general3A_111 = arith.constant dense<0.000000e+00> : vector<512x1xf32>
    %dot_general3A_112 = tpu.matmul %convert_element_type3A_109, %convert_element_type3A_110, %dot_general3A_111 {dimension_numbers = #tpu.dot_dimension_numbers<[1], [0], [0], [1], [0, 0, 1, 1], [], []>, transpose_lhs_hint = false} : vector<512x909xbf16>, vector<909x1xbf16>, vector<512x1xf32> -> vector<512x1xf32>
    %get3A_113 = arith.constant 0 : index
    %get3A_114 = arith.constant 0 : index
    %get3A_115 = vector.load %arg12[%get3A_113, %get3A_114] : memref<1x1xf32, #tpu.memory_space<vmem>>, vector<1x1xf32>
    %add3A_116 = vector.broadcast %get3A_115 : vector<1x1xf32> to vector<512x1xf32>
    %add3A_117 = arith.addf %dot_general3A_112, %add3A_116 : vector<512x1xf32>
    %logistic3A = arith.negf %add3A_117 : vector<512x1xf32>
    %logistic3A_118 = math.exp %logistic3A : vector<512x1xf32>
    %logistic3A_119 = arith.constant 1.000000e+00 : f32
    %logistic3A_120 = vector.broadcast %logistic3A_119 : f32 to vector<512x1xf32>
    %logistic3A_121 = arith.addf %logistic3A_120, %logistic3A_118 : vector<512x1xf32>
    %logistic3A_122 = arith.divf %logistic3A_120, %logistic3A_121 : vector<512x1xf32>
    %swap3A = arith.constant 0 : index
    %swap3A_123 = arith.constant 0 : index
    %swap3A_124 = vector.load %arg13[%swap3A, %swap3A_123] : memref<512x1xf32, #tpu.memory_space<vmem>>, vector<512x1xf32>
    tpu.vector_store %arg13[%swap3A, %swap3A_123], %logistic3A_122 {strides = array<i32>} : memref<512x1xf32, #tpu.memory_space<vmem>>, vector<512x1xf32>,
    return
  }
  func.func @transform_0(%arg0: i32) -> (i32, i32) {
    %c0_i32 = arith.constant 0 : i32
    %c0_i32_0 = arith.constant 0 : i32
    return %arg0, %c0_i32 : i32, i32
  }
  func.func @transform_1(%arg0: i32) -> (i32, i32, i32, i32) {
    %c0_i32 = arith.constant 0 : i32
    %c0_i32_0 = arith.constant 0 : i32
    %c0_i32_1 = arith.constant 0 : i32
    %c0_i32_2 = arith.constant 0 : i32
    return %arg0, %c0_i32, %c0_i32_0, %c0_i32_1 : i32, i32, i32, i32
  }
  func.func @transform_2(%arg0: i32) -> (i32, i32) {
    %c0_i32 = arith.constant 0 : i32
    %c0_i32_0 = arith.constant 0 : i32
    %c0_i32_1 = arith.constant 0 : i32
    return %c0_i32, %c0_i32_0 : i32, i32
  }
  func.func @transform_3(%arg0: i32) -> (i32, i32) {
    %c0_i32 = arith.constant 0 : i32
    %c0_i32_0 = arith.constant 0 : i32
    %c0_i32_1 = arith.constant 0 : i32
    return %c0_i32, %c0_i32_0 : i32, i32
  }
  func.func @transform_4(%arg0: i32) -> (i32, i32) {
    %c0_i32 = arith.constant 0 : i32
    %c0_i32_0 = arith.constant 0 : i32
    %c0_i32_1 = arith.constant 0 : i32
    return %c0_i32, %c0_i32_0 : i32, i32
  }
  func.func @transform_5(%arg0: i32) -> (i32, i32) {
    %c0_i32 = arith.constant 0 : i32
    %c0_i32_0 = arith.constant 0 : i32
    %c0_i32_1 = arith.constant 0 : i32
    return %c0_i32, %c0_i32_0 : i32, i32
  }
  func.func @transform_6(%arg0: i32) -> (i32, i32) {
    %c0_i32 = arith.constant 0 : i32
    %c0_i32_0 = arith.constant 0 : i32
    %c0_i32_1 = arith.constant 0 : i32
    return %c0_i32, %c0_i32_0 : i32, i32
  }
  func.func @transform_7(%arg0: i32) -> (i32, i32) {
    %c0_i32 = arith.constant 0 : i32
    %c0_i32_0 = arith.constant 0 : i32
    %c0_i32_1 = arith.constant 0 : i32
    return %c0_i32, %c0_i32_0 : i32, i32
  }
  func.func @transform_8(%arg0: i32) -> (i32, i32) {
    %c0_i32 = arith.constant 0 : i32
    %c0_i32_0 = arith.constant 0 : i32
    %c0_i32_1 = arith.constant 0 : i32
    return %c0_i32, %c0_i32_0 : i32, i32
  }
  func.func @transform_9(%arg0: i32) -> (i32, i32) {
    %c0_i32 = arith.constant 0 : i32
    %c0_i32_0 = arith.constant 0 : i32
    %c0_i32_1 = arith.constant 0 : i32
    return %c0_i32, %c0_i32_0 : i32, i32
  }
  func.func @transform_10(%arg0: i32) -> (i32, i32) {
    %c0_i32 = arith.constant 0 : i32
    %c0_i32_0 = arith.constant 0 : i32
    %c0_i32_1 = arith.constant 0 : i32
    return %c0_i32, %c0_i32_0 : i32, i32
  }
  func.func @transform_11(%arg0: i32) -> (i32, i32) {
    %c0_i32 = arith.constant 0 : i32
    %c0_i32_0 = arith.constant 0 : i32
    %c0_i32_1 = arith.constant 0 : i32
    return %c0_i32, %c0_i32_0 : i32, i32
  }
  func.func @transform_12(%arg0: i32) -> (i32, i32) {
    %c0_i32 = arith.constant 0 : i32
    %c0_i32_0 = arith.constant 0 : i32
    return %arg0, %c0_i32 : i32, i32
  }
}

</mosaic_0001>

<sc_bundles>
// kernel: kernel.4.cloned.1.call-start
scs
__scs_entry_jumppad:
0x0: {  	(pc) =	sbr.rel $0x88, $3  }
0x1: {  	(tag) =	ssettag $0x0;
	lr =	simm.s32 $0x1  }
0x2: {  	[smem:$0x3F95] =	sst lr;
	_ =	strace $0xD0000000  }
0x3: {  	_ = 	snop  }
0x4: {  	_ = 	snop  }
0x5: {  	_ = 	snop  }
0x6: {  	_ = 	snop  }
0x7: {  	_ = 	snop  }
__scs_overlays_trampoline_lowered:
0x8: {  	[smem:$0x3FA4] =	sst s0  }
0x9: {  	[smem:$0x3FA5] =	sst s1  }
0xa: {  	[smem:$0x3FA6] =	sst s2  }
0xb: {  	[smem:$0x3FA7] =	sst s3  }
0xc: {  	[smem:$0x3FA8] =	sst s4  }
0xd: {  	[smem:$0x3FA9] =	sst s5  }
0xe: {  	[smem:$0x3FAA] =	sst s6  }
0xf: {  	[smem:$0x3FAB] =	sst s7  }
0x10: {  	[smem:$0x3FAC] =	sst s8  }
0x11: {  	[smem:$0x3FAD] =	sst s9;
	s0 =	simm.s32 @!p0 $0x0  }
0x12: {  	s1 =	sld [smem:$0x3F93];
	s0 =	simm.s32 @p0 $0x1  }
0x13: {  	[smem:$0x3FAE] =	sst s0;
	s0 =	simm.s32 @!p1 $0x0  }
0x14: {  	s2 =	sld [smem:$0x3F92];
	s0 =	simm.s32 @p1 $0x1  }
0x15: {  	[smem:$0x3FAF] =	sst s0;
	s0 =	simm.s32 @!p2 $0x0  }
0x16: {  	s3 =	sld [smem:$0x3FDB];
	s0 =	simm.s32 @p2 $0x1  }
0x17: {  	s4 =	simm.s32 $0x1BF5;
	[smem:$0x3FB1] =	sst s0  }
0x18: {  	s0 =	sld [smem:$0x3F94];
	_ =	swait.ge [sflag:s4], $0x0  }
0x19: {  	s7 =	sld [smem:$0x3F95]  }
0x1a: {  	s8 =	sadd.s32 $0xFFFFE003, lr  }
0x1b: {  	s9 =	sadd.s32 $0xFFFFFEF7, lr;
	s5 =	simm.s32 $0xFFFFFFFF;
	p2 =	slt.u32 s8, $0xFFFFF086  }
0x1c: {  	p1 =	slt.u32 s9, $0xF7A;
	s5 =	simm.s32 @!p2 $0x0  }
0x1d: {  	s5 =	simm.s32 @p1 $0x1;
	p0 =	seq.s32 s7, s2  }
0x1e: {  	s7 =	smul.u32 @!p0 $0xF7A, s2;
	p2 =	seq.s32 @!p0 s5, $0x0  }
0x1f: {  	s9 =	smul.u32 $0xF7A, s1;
	s8 =	simm.s32 @!p0 $0x1BF5;
	p2 =	por !p2, p0  }
0x20: {  	[sflag:s8] =	ssyncset.s32 @!p0 $0xFFFFF086;
	s6 =	sadd.s32 @!p0 s3, s7;
	s7 =	simm.s32 @!p0 $0x108  }
0x21: {  	s3 =	sadd.s32 s3, s9;
	s6 =	sadd.s32 @!p0 $0x88, s6;
	s7 =	simm.s32 @p2 $0x1082  }
0x22: {  	[simem:s7], [sflag:s8] =	dma.local @!p0 [hbm:s6], $0xF7A  }
0x23: {  	s9 =	sor.u32 $0xD0000000, s2;
	s6 =	simm.s32 $0x108;
	_ =	swait.ge @!p0 [sflag:s8], $0x0  }
0x24: {  	s3 =	sadd.s32 $0x88, s3;
	s6 =	simm.s32 @!p1 $0x1082;
	[sflag:s4] =	ssyncset.s32 $0xFFFFF086  }
0x25: {  	[simem:s6], [sflag:s4] =	dma.local [hbm:s3], $0xF7A  }
0x26: {  	[smem:$0x3F95] =	sst s1;
	(tag) =	ssettag s2;
	_ =	strace s9  }
0x27: {  	s1 =	sld [smem:$0x3FA5]  }
0x28: {  	s2 =	sld [smem:$0x3FA6]  }
0x29: {  	s4 =	sld [smem:$0x3FA8]  }
0x2a: {  	p0 =	seq.s32 s5, $0x0;
	s5 =	sld [smem:$0x3FA9]  }
0x2b: {  	s6 =	sld [smem:$0x3FAA]  }
0x2c: {  	s7 =	sld [smem:$0x3FAB]  }
0x2d: {  	s3 =	simm.s32 $0x108;
	s8 =	sld [smem:$0x3FAC]  }
0x2e: {  	s3 =	simm.s32 @!p0 $0x1082;
	s9 =	sld [smem:$0x3FAD]  }
0x2f: {  	lr =	sadd.s32 s0, s3;
	s0 =	sld [smem:$0x3FA4]  }
0x30: {  	s3 =	sld [smem:$0x3FA7]  }
0x31: {  	[smem:$0x3FB0] =	sst s10  }
0x32: {  	s10 =	sld [smem:$0x3FAE];
	_ =	sdelay $0x3  }
0x33: {  	p0 =	seq.s32 s10, $0x1;
	s10 =	sld [smem:$0x3FB0];
	_ =	sdelay $0x3  }
0x34: {  	[smem:$0x3FB0] =	sst s10  }
0x35: {  	s10 =	sld [smem:$0x3FAF];
	_ =	sdelay $0x3  }
0x36: {  	p1 =	seq.s32 s10, $0x1;
	s10 =	sld [smem:$0x3FB0];
	_ =	sdelay $0x3  }
0x37: {  	[smem:$0x3FB0] =	sst s10  }
0x38: {  	s10 =	sld [smem:$0x3FB1]  }
0x39: {  	_ = 	snop;
	(pc) =	sbr.ind lr, $3  }
0x3a: {  	_ = 	snop  }
0x3b: {  	_ = 	snop  }
0x3c: {  	p2 =	seq.s32 s10, $0x1;
	s10 =	sld [smem:$0x3FB0]  }
0x3d: {  	_ =	shalt  }
0x3e: {  	_ =	shalt  }
0x3f: {  	_ =	shalt  }
0x40: {  	_ =	shalt  }
0x41: {  	_ =	shalt  }
0x42: {  	_ =	shalt  }
0x43: {  	_ =	shalt  }
0x44: {  	_ =	shalt  }
0x45: {  	_ =	shalt  }
0x46: {  	_ =	shalt  }
0x47: {  	_ =	shalt  }
0x48: {  	_ =	shalt  }
0x49: {  	_ =	shalt  }
0x4a: {  	_ =	shalt  }
0x4b: {  	_ =	shalt  }
0x4c: {  	_ =	shalt  }
0x4d: {  	_ =	shalt  }
0x4e: {  	_ =	shalt  }
0x4f: {  	_ =	shalt  }
0x50: {  	_ =	shalt  }
0x51: {  	_ =	shalt  }
0x52: {  	_ =	shalt  }
0x53: {  	_ =	shalt  }
0x54: {  	_ =	shalt  }
0x55: {  	_ =	shalt  }
0x56: {  	_ =	shalt  }
0x57: {  	_ =	shalt  }
0x58: {  	_ =	shalt  }
0x59: {  	_ =	shalt  }
0x5a: {  	_ =	shalt  }
0x5b: {  	_ =	shalt  }
0x5c: {  	_ =	shalt  }
0x5d: {  	_ =	shalt  }
0x5e: {  	_ =	shalt  }
0x5f: {  	_ =	shalt  }
0x60: {  	_ =	shalt  }
0x61: {  	_ =	shalt  }
0x62: {  	_ =	shalt  }
0x63: {  	_ =	shalt  }
0x64: {  	_ =	shalt  }
0x65: {  	_ =	shalt  }
0x66: {  	_ =	shalt  }
0x67: {  	_ =	shalt  }
0x68: {  	_ =	shalt  }
0x69: {  	_ =	shalt  }
0x6a: {  	_ =	shalt  }
0x6b: {  	_ =	shalt  }
0x6c: {  	_ =	shalt  }
0x6d: {  	_ =	shalt  }
0x6e: {  	_ =	shalt  }
0x6f: {  	_ =	shalt  }
0x70: {  	_ =	shalt  }
0x71: {  	_ =	shalt  }
0x72: {  	_ =	shalt  }
0x73: {  	_ =	shalt  }
0x74: {  	_ =	shalt  }
0x75: {  	_ =	shalt  }
0x76: {  	_ =	shalt  }
0x77: {  	_ =	shalt  }
0x78: {  	_ =	shalt  }
0x79: {  	_ =	shalt  }
0x7a: {  	_ =	shalt  }
0x7b: {  	_ =	shalt  }
0x7c: {  	_ =	shalt  }
0x7d: {  	_ =	shalt  }
0x7e: {  	_ =	shalt  }
0x7f: {  	_ =	shalt  }
0x80: {  	_ =	shalt  }
0x81: {  	_ =	shalt  }
0x82: {  	_ =	shalt  }
0x83: {  	_ =	shalt  }
0x84: {  	_ =	shalt  }
0x85: {  	_ =	shalt  }
0x86: {  	_ =	shalt  }
0x87: {  	_ =	shalt  }
.Lfunc_end0:
.L_simem_size_0:
called_computation_lowered:
.L_overlay_start_0:
0x88: {  	s2 =	sld [smem:$0x3FD9]  }
0x89: {  	s3 =	sld [smem:$0x3FFE];
	_ =	sdelay $0x1  }
0x8a: {  	s1 =	srdreg.scid  }
0x8b: {  	s0 =	sand.u32 $0x1, s1  }
0x8c: {  	s16 =	sshll.u32 s0, $0xA;
	s2 =	sadd.s32 s3, s2  }
0x8d: {  	s2 =	sadd.s32 s2, s16  }
0x8e: {  	[smem:$0x3FBC] =	sst s2  }
0x8f: {  	_ = 	snop  }
0x90: {  	(tm) =	ssettm $0x1  }
0x91: {  	s17 =	sld [smem:$0x3FFB];
	_ =	sdelay $0x3  }
0x92: {  	_ =	strace s17  }
0x93: {  	s2 =	sld [smem:$0x3FFC];
	_ =	sdelay $0x3  }
0x94: {  	_ =	strace s2  }
0x95: {  	s2 =	sld [smem:$0x3FFD];
	_ =	sdelay $0x3  }
0x96: {  	_ =	strace s2  }
0x97: {  	_ =	strace $0x8FFFFFFF  }
0x98: {  	s18 =	sld [smem:$0x3FDB];
	_ =	sdelay $0x1  }
0x99: {  	s19 =	simm.s32 $_scs_section_size  }
0x9a: {  	s4 =	simm.s32 $_size__tile_overlayer_lowered;
	s5 =	simm.s32 $_tile_overlayer_lowered  }
0x9b: {  	s22 =	simm.s32 $0x1BFF;
	s21 =	sshll.u32 s5, $0x1;
	s2 =	sadd.s32 s19, s18  }
0x9c: {  	s6 =	simm.s32 $0x0;
	s20 =	sshll.u32 s4, $0x1;
	s4 =	sadd.s32 s21, s2  }
0x9d: {  	[timem:s6], [sflag:s22] =	dma.local [hbm:s4], s20  }
0x9e: {  	_ =	swait.ge [sflag:s22], s20  }
0x9f: {  	s3 =	ssub.s32 $0x0, s20;
	[sflag:s22] =	ssyncset.done $0x0  }
0xa0: {  	[sflag:s22] =	ssyncadd.s32 s3;
	_ =	sdelay $0x1  }
0xa1: {  	s23 =	simm.s32 $0x1B8B  }
0xa2: {  	_ =	swait.ge [sflag:s23], $0x1  }
0xa3: {  	[sflag:s23] =	ssyncset.done $0x0  }
0xa4: {  	s25 =	simm.s32 $0x1B8E;
	s24 =	sld [smem:$0x3FFE];
	[sflag:s23] =	ssyncadd.s32 $0xFFFFFFFF  }
0xa5: {  	s26 =	simm.s32 $execute0_lowered;
	[smem:$0x3FD2] =	sst s25  }
0xa6: {  	s4 =	sshll.u32 s26, $0x1;
	_ =	strace $0x80000046;
	[dreg:$0x1] =	wrdreg $0xFFFFFFFF  }
0xa7: {  	s28 =	simm.s32 $_size_execute0_lowered;
	s2 =	sadd.s32 s2, s4;
	[dreg:$0x0] =	wrdreg $0x0  }
0xa8: {  	s4 =	sshll.u32 s28, $0x1;
	[dreg:$0x2] =	wrdreg s2  }
0xa9: {  	[dreg:$0x3] =	wrdreg s4  }
0xaa: {  	[dreg:$0x4] =	wrdreg $0xC0  }
0xab: {  	_ =	task [dreg:s6], $0x5FFFF  }
0xac: {  	[dreg:$0x1] =	wrdreg $0xFFFFFFFF  }
0xad: {  	[dreg:$0x0] =	wrdreg $0x60  }
0xae: {  	[dreg:$0x2] =	wrdreg s24  }
0xaf: {  	[dreg:$0x3] =	wrdreg $0x9  }
0xb0: {  	_ =	task.clear_ibuf [dreg:s6], $0x4FFFF;
	_ =	strace $0x90000046  }
0xb1: {  	s29 =	simm.s32 $0x9;
	_ =	strace $0x80000048  }
0xb2: {  	_ =	swait.ge [sflag:s29], $0x1  }
0xb3: {  	[sflag:s29] =	ssyncadd.s32 $0xFFFFFFFF  }
0xb4: {  	_ =	strace $0x90000048  }
0xb5: {  	_ =	sfence  }
0xb6: {  	s30 =	sld [smem:$0x0];
	_ =	sdelay $0x2  }
0xb7: {  	s31 =	sshll.u32 s1, $0xD;
	s1 =	sshrl.u32 s1, $0x2  }
0xb8: {  	s3 =	sand.u32 $0x4000, s31;
	s1 =	sadd.s32 s1, s30  }
0xb9: {  	s0 =	sor.u32 s3, s0;
	s1 =	sshll.u32 s1, $0x11  }
0xba: {  	s0 =	sor.u32 s1, s0  }
0xbb: {  	s0 =	sadd.s32 $0x8F2B, s0  }
0xbc: {  	[sflag:s0] =	ssyncadd.remote.s32 $0x1  }
0xbd: {  	_ =	sfence.sel $0xFFFF  }
0xbe: {  	[dreg:$0x0] =	wrdreg $0xFFFFFFFF;
	(pc) =	sbr.abs _section_cstart, $3  }
0xbf: {  	[dreg:$0x1] =	wrdreg $0xFFFFFFFF  }
0xc0: {  	_ =	task.clear_ibuf [dreg:s6], $0x2FFFF;
	_ =	strace $0x9FFFFFFF  }
0xc1: {  	(tm) =	ssettm $0x7FFFFFFF  }
tec
execute0_lowered:
.L_overlay_start_1:
0x0: {  	(tag) =	ssettag $0x1  }
0x1: {  	s1 =	srdreg.scid  }
0x2: {  	s0 =	stileid.u32;
	s4 =	rddreg [dreg:$0x0];
	s2 =	simm.s32 $0x0  }
0x3: {  	s12 =	simm.s32 $0x4800;
	s13 =	simm.s32 $0x100;
	s14 =	simm.s32 $0x5800  }
0x4: {  	s15 =	simm.s32 $0x180;
	s16 =	simm.s32 $0x6800;
	s17 =	simm.s32 $0x1  }
0x5: {  	s18 =	simm.s32 $0x2;
	s19 =	simm.s32 $0x3;
	s20 =	simm.s32 $0x4  }
0x6: {  	s21 =	simm.s32 $0x0;
	s5 =	sand.u32 $0x1, s1;
	s7 =	smul.u32 $0xE0, s0  }
0x7: {  	s3 =	sshll.u32 s0, $0x1;
	s1 =	rddreg [dreg:$0x1];
	s29 =	smul.u32 $0x1C000, s0  }
0x8: {  	[smem:$0x7FF] =	sst s2;
	s10 =	sadd.s32 $0x2200, s4;
	s9 =	smul.u32 $0x70, s5  }
0x9: {  	s3 =	sor.u32 s5, s3;
	_ =	strace $0x80000047;
	s11 =	smul.u32 $0xE000, s5  }
0xa: {  	s8 =	ssub.s32 $0x2, s5;
	s6 =	smul.u32 $0x700, s3;
	s3 =	sadd.s32 $0x27AE800, s4  }
.Ltmp0:
0xb: {  	s28 =	sshrl.u32 s8, $0x1;
	s31 =	sadd.s32 s29, s10;
	(pc) =	sbr.rel .LBB2_1-.Ltmp0, $4  }
0xc: {  	s8 =	ssub.s32 s8, s28;
	s7 =	sadd.s32 s9, s7;
	s9 =	simm.s32 $0x5  }
0xd: {  	s6 =	sadd.s32 s6, s4;
	s30 =	sshll.u32 s7, $0x9;
	s5 =	smax.u32 s8, $0x1  }
0xe: {  	s8 =	sadd.s32 s11, s31;
	s4 =	sadd.s32 $0x1C2200, s6;
	s6 =	sadd.s32 s30, s10  }
0xf: {  	s11 =	simm.s32 $0x3800;
	s10 =	simm.s32 $0x80;
	s7 =	sadd.s32 $0x400, s6  }
.LBB2_4:
0x10: {  	s21 =	sadd.s32 $0x1, s21  }
0x11: {  	p0 =	sne.s32 s21, s5  }
.Ltmp1:
0x12: {  	_ = 	snop;
	(pc) =	sbr.rel @!p0 .LBB2_5-.Ltmp1, $1  }
0x13: {  	_ =	sdelay $0x3  }
.LBB2_1:
0x14: {  	[tilespmem:s2], [sflag:$0x5] =	stream.linear.gather [hbm4b:s4+s2], $0x3800, $0x38;
	[tilespmem:$0x7800] =	vst v63  }
0x15: {  	_ =	swait.ge [sflag:s9], $0x3800  }
0x16: {  	[sflag:s9] =	ssyncset.done $0x0  }
0x17: {  	[sflag:s9] =	ssyncadd.s32 $0xFFFFC800  }
0x18: {  	[tilespmem:s11], [sflag:$0x1] =	stream.indirect.gather [hbm4b:s3+s10], $0x20, s2, s10, $0xb8;
	[tilespmem:$0x7800] =	vst v63  }
0x19: {  	_ = 	snop  }
0x1a: {  	[tilespmem:s12], [sflag:$0x2] =	stream.indirect.gather [hbm4b:s3+s10], $0x20, s10, s10, $0xb8;
	[tilespmem:$0x7800] =	vst v63  }
0x1b: {  	_ = 	snop  }
0x1c: {  	[tilespmem:s14], [sflag:$0x3] =	stream.indirect.gather [hbm4b:s3+s10], $0x20, s13, s10, $0xb8;
	[tilespmem:$0x7800] =	vst v63  }
0x1d: {  	s22 =	simm.s32 $0x0  }
0x1e: {  	[tilespmem:s16], [sflag:$0x4] =	stream.indirect.gather [hbm4b:s3+s10], $0x20, s15, s10, $0xb8;
	[tilespmem:$0x7800] =	vst v63  }
.LBB2_2:
0x1f: {  	_ =	swait.ge [sflag:s17], $0x1000  }
0x20: {  	[sflag:s17] =	ssyncset.done $0x0  }
0x21: {  	s23 =	sadd.s32 s22, s8;
	[sflag:s17] =	ssyncadd.s32 $0xFFFFF000  }
0x22: {  	[hbm4b:s23+s2] =	stream.linear.scatter [tilespmem:s11], [sflag:$0x5], $0x1000, $0x38;
	[tilespmem:$0x7800] =	vst v63  }
0x23: {  	p0 =	seq.s32 s22, $0xD800;
	_ =	swait.ge [sflag:s9], $0x1000  }
0x24: {  	s25 =	simm.s32 @!p0 $0x80;
	s23 =	sshra.s32 @!p0 s22, $0x2;
	[sflag:s9] =	ssyncset.done $0x0  }
0x25: {  	s26 =	simm.s32 @!p0 $0x3800;
	s24 =	sadd.s32 @!p0 $0x200, s23;
	[sflag:s9] =	ssyncadd.s32 $0xFFFFF000  }
0x26: {  	[tilespmem:s26], [sflag:$0x1] =	stream.indirect.gather @!p0 [hbm4b:s3+s25], $0x20, s24, s25, $0xb8;
	[tilespmem:$0x7800] =	vst v63  }
0x27: {  	_ =	swait.ge [sflag:s18], $0x1000  }
0x28: {  	s31 =	sadd.s32 s22, s6;
	[sflag:s18] =	ssyncset.done $0x0  }
0x29: {  	s29 =	sadd.s32 $0x200, s31;
	[sflag:s18] =	ssyncadd.s32 $0xFFFFF000  }
0x2a: {  	[hbm4b:s29+s2] =	stream.linear.scatter [tilespmem:s12], [sflag:$0x5], $0x1000, $0x38;
	[tilespmem:$0x7800] =	vst v63  }
0x2b: {  	_ =	swait.ge [sflag:s9], $0x1000  }
0x2c: {  	[sflag:s9] =	ssyncset.done $0x0  }
0x2d: {  	s28 =	simm.s32 @!p0 $0x4800;
	s26 =	sadd.s32 @!p0 $0x280, s23;
	[sflag:s9] =	ssyncadd.s32 $0xFFFFF000  }
0x2e: {  	[tilespmem:s28], [sflag:$0x2] =	stream.indirect.gather @!p0 [hbm4b:s3+s25], $0x20, s26, s25, $0xb8;
	[tilespmem:$0x7800] =	vst v63  }
0x2f: {  	_ =	swait.ge [sflag:s19], $0x1000  }
0x30: {  	[sflag:s19] =	ssyncset.done $0x0  }
0x31: {  	s30 =	sadd.s32 s22, s7;
	[sflag:s19] =	ssyncadd.s32 $0xFFFFF000  }
0x32: {  	[hbm4b:s30+s2] =	stream.linear.scatter [tilespmem:s14], [sflag:$0x5], $0x1000, $0x38;
	[tilespmem:$0x7800] =	vst v63  }
0x33: {  	_ =	swait.ge [sflag:s9], $0x1000  }
0x34: {  	[sflag:s9] =	ssyncset.done $0x0  }
0x35: {  	s23 =	sadd.s32 @!p0 $0x300, s23;
	s26 =	simm.s32 @!p0 $0x5800;
	[sflag:s9] =	ssyncadd.s32 $0xFFFFF000  }
0x36: {  	[tilespmem:s26], [sflag:$0x3] =	stream.indirect.gather @!p0 [hbm4b:s3+s25], $0x20, s23, s25, $0xb8;
	[tilespmem:$0x7800] =	vst v63  }
0x37: {  	_ =	swait.ge [sflag:s20], $0x1000  }
0x38: {  	[sflag:s20] =	ssyncset.done $0x0  }
.Ltmp2:
0x39: {  	s31 =	sadd.s32 $0x600, s31;
	[sflag:s20] =	ssyncadd.s32 $0xFFFFF000;
	(pc) =	sbr.rel @p0 .LBB2_4-.Ltmp2, $4  }
0x3a: {  	[hbm4b:s31+s2] =	stream.linear.scatter [tilespmem:s16], [sflag:$0x5], $0x1000, $0x38;
	[tilespmem:$0x7800] =	vst v63  }
0x3b: {  	_ =	swait.ge [sflag:s9], $0x1000  }
0x3c: {  	[sflag:s9] =	ssyncset.done $0x0  }
0x3d: {  	[sflag:s9] =	ssyncadd.s32 $0xFFFFF000  }
.Ltmp3:
0x3e: {  	(pc) =	sbr.rel .LBB2_2-.Ltmp3, $4  }
0x3f: {  	_ = 	snop  }
0x40: {  	s23 =	sshra.s32 s22, $0x2  }
0x41: {  	s22 =	sadd.s32 $0x800, s22;
	s23 =	sadd.s32 $0x380, s23  }
0x42: {  	[tilespmem:s16], [sflag:$0x4] =	stream.indirect.gather [hbm4b:s3+s10], $0x20, s23, s10, $0xb8;
	[tilespmem:$0x7800] =	vst v63  }
.LBB2_5:
0x43: {  	_ =	sfence.sel $0x180000  }
0x44: {  	[bflag:$0x0] =	sbarrier.arrive $0xFFFF  }
0x45: {  	p0 =	sne.s32 s0, $0x0;
	_ =	strace $0x90000047  }
0x46: {  	s0 =	sadd.s32 @!p0 $0x100000, s1;
	[bflag:$0x2] =	sbarrier.arrive $0xFFFF  }
0x47: {  	[sflag:s0] =	ssyncadd.tile.s32 @!p0 $0x1;
	_ =	shalt  }
.Lfunc_end2:
_tile_overlayer_lowered:
.L_overlay_start_2:
0x48: {  	(tag) =	ssettag $0x2  }
0x49: {  	s0 =	rddreg [dreg:$0x0];
	s2 =	stileid.u32  }
0x4a: {  	s1 =	rddreg [dreg:$0x1];
	p0 =	sne.s32 s2, $0x0  }
0x4b: {  	s3 =	rddreg [dreg:$0x2];
	[bflag:$0x3] =	sbarrier.arrive $0xFFFF;
	s2 =	simm.s32 @!p0 $0x1C05  }
0x4c: {  	[timem:s3], [sflag:s2] =	dma.local @!p0 [hbm:s0], s1  }
0x4d: {  	s0 =	simm.s32 @!p0 $0x5  }
0x4e: {  	_ =	swait.ge @!p0 [sflag:s0], s1  }
0x4f: {  	s1 =	ssub.s32 @!p0 $0x0, s1;
	[sflag:s0] =	ssyncset.done @!p0 $0x0  }
0x50: {  	[sflag:s0] =	ssyncadd.s32 @!p0 s1  }
0x51: {  	[bflag:$0x3] =	sbarrier.arrive $0xFFFF  }
0x52: {  	_ =	shalt  }

</sc_bundles>
